<compile_context>
chip_gen: v7x
topology: tpu7x:2x2x1
jax: 0.10.2.dev20260603
libtpu: 0.0.44.dev20260713+nightly
codegen_flags: <defaults>
</compile_context>

<pallas_src>
import jax
import jax.numpy as jnp
from jax import lax
from jax.experimental import pallas as pl
from jax.experimental.pallas import tpu as pltpu
from jax.experimental.pallas import tpu_sc as plsc

D = 128
HF = 64
NH = 8
NHC = 4
HD = 16
N_NODES = 10000
N_EDGES = 320000

NC = 2
NS = 16
E_PER_T = N_EDGES // NS
CHUNK = 160
N_CHUNKS = E_PER_T // CHUNK
N_PAD = 10240
NPT = N_PAD // NS



def _qkv_body(x_ref, wq_ref, wk_ref, wv_ref, q_ref, k_ref, v_ref):
    x = x_ref[...]
    for w_ref, o_ref in ((wq_ref, q_ref), (wk_ref, k_ref), (wv_ref, v_ref)):
        y = jnp.dot(x, w_ref[...], preferred_element_type=jnp.float32)
        o_ref[0] = y[:, :HF]
        o_ref[1] = y[:, HF:]


def _qkv(embeds, wq, wk, wv):
    bn = 1000
    grid = (N_NODES // bn,)
    out = jax.ShapeDtypeStruct((NC, N_NODES, HF), jnp.float32)
    return pl.pallas_call(
        _qkv_body,
        grid=grid,
        in_specs=[
            pl.BlockSpec((bn, D), lambda i: (i, 0)),
            pl.BlockSpec((D, D), lambda i: (0, 0)),
            pl.BlockSpec((D, D), lambda i: (0, 0)),
            pl.BlockSpec((D, D), lambda i: (0, 0)),
        ],
        out_specs=[
            pl.BlockSpec((NC, bn, HF), lambda i: (0, i, 0)),
            pl.BlockSpec((NC, bn, HF), lambda i: (0, i, 0)),
            pl.BlockSpec((NC, bn, HF), lambda i: (0, i, 0)),
        ],
        out_shape=[out, out, out],
    )(embeds, wq, wk, wv)



def _edge_body(q_hbm, k_hbm, v_hbm, rows_hbm, rc_hbm, cc_hbm, zrow_hbm,
               zattn_hbm, outp_hbm, attnp_hbm,
               rows_v, gq_v, gc_v, qv, kv, vv, wv, ea,
               out_acc, attn_acc, sem):
    c = lax.axis_index("c")
    s = lax.axis_index("s")

    pltpu.sync_copy(zrow_hbm.at[pl.ds(s * NPT, NPT)],
                    out_acc.at[pl.ds(s * NPT, NPT)])
    pltpu.sync_copy(zattn_hbm.at[pl.ds(s * NPT, NPT)],
                    attn_acc.at[pl.ds(s * NPT, NPT)])
    plsc.subcore_barrier()

    iota = lax.iota(jnp.int32, 16)
    perms = [iota ^ kk for kk in (8, 4, 2, 1)]
    gdn = lax.GatherDimensionNumbers(
        offset_dims=(), collapsed_slice_dims=(0,), start_index_map=(0,))

    def shuffle(x, p):
        return lax.gather(x, p[:, None], gdn, slice_sizes=(1,),
                          mode=lax.GatherScatterMode.PROMISE_IN_BOUNDS)

    def hsum(x):
        for p in perms:
            x = x + shuffle(x, p)
        return x

    def chunk(t, carry):
        base = s * E_PER_T + t * CHUNK
        gbase = c * N_EDGES + base
        pltpu.sync_copy(rows_hbm.at[pl.ds(base, CHUNK)], rows_v)
        pltpu.sync_copy(rc_hbm.at[pl.ds(gbase, CHUNK)], gq_v)
        pltpu.sync_copy(cc_hbm.at[pl.ds(gbase, CHUNK)], gc_v)
        pltpu.async_copy(q_hbm.at[gq_v], qv, sem).wait()
        pltpu.async_copy(k_hbm.at[gc_v], kv, sem).wait()
        pltpu.async_copy(v_hbm.at[gc_v], vv, sem).wait()

        def edge(e, carry2):
            acc = jnp.zeros((16,), jnp.float32)
            for h in range(NHC):
                qh = qv[e, pl.ds(h * HD, HD)]
                kh = kv[e, pl.ds(h * HD, HD)]
                bv = hsum(qh * kh)
                av = jnp.exp(jnp.minimum(jnp.maximum(bv, -10.0), 10.0))
                wv[e, pl.ds(h * HD, HD)] = av * vv[e, pl.ds(h * HD, HD)]
                acc = jnp.where(iota == h, av, acc)
            ea[e, :] = acc
            return carry2

        lax.fori_loop(0, CHUNK, edge, 0)
        pltpu.sync_copy(wv, out_acc.at[rows_v], add=True)
        pltpu.sync_copy(ea, attn_acc.at[rows_v], add=True)
        return carry

    lax.fori_loop(0, N_CHUNKS, chunk, 0)
    plsc.subcore_barrier()

    pltpu.sync_copy(out_acc.at[pl.ds(s * NPT, NPT)],
                    outp_hbm.at[pl.ds(c * N_PAD + s * NPT, NPT)])
    pltpu.sync_copy(attn_acc.at[pl.ds(s * NPT, NPT)],
                    attnp_hbm.at[pl.ds(c * N_PAD + s * NPT, NPT)])


def _edge_pass(q, k, v, rows, cols):
    mesh = plsc.VectorSubcoreMesh(core_axis_name="c", subcore_axis_name="s",
                                  num_cores=NC, num_subcores=NS)
    rc = jnp.concatenate([rows, rows + N_NODES])
    cc = jnp.concatenate([cols, cols + N_NODES])
    zrow = jnp.zeros((N_PAD, HF), jnp.float32)
    zattn = jnp.zeros((N_PAD, 16), jnp.float32)
    fn = pl.kernel(
        _edge_body,
        out_type=(jax.ShapeDtypeStruct((NC * N_PAD, HF), jnp.float32),
                  jax.ShapeDtypeStruct((NC * N_PAD, 16), jnp.float32)),
        mesh=mesh,
        scratch_types=[
            pltpu.VMEM((CHUNK,), jnp.int32),
            pltpu.VMEM((CHUNK,), jnp.int32),
            pltpu.VMEM((CHUNK,), jnp.int32),
            pltpu.VMEM((CHUNK, HF), jnp.float32),
            pltpu.VMEM((CHUNK, HF), jnp.float32),
            pltpu.VMEM((CHUNK, HF), jnp.float32),
            pltpu.VMEM((CHUNK, HF), jnp.float32),
            pltpu.VMEM((CHUNK, 16), jnp.float32),
            pltpu.VMEM_SHARED((N_PAD, HF), jnp.float32),
            pltpu.VMEM_SHARED((N_PAD, 16), jnp.float32),
            pltpu.SemaphoreType.DMA,
        ],
        compiler_params=pltpu.CompilerParams(use_tc_tiling_on_sc=False),
    )
    q2 = q.reshape(NC * N_NODES, HF)
    k2 = k.reshape(NC * N_NODES, HF)
    v2 = v.reshape(NC * N_NODES, HF)
    return fn(q2, k2, v2, rows, rc, cc, zrow, zattn)



def _final_body(outp_ref, attnp_ref, emb_ref, scale_ref, bias_ref, o_ref):
    raw = jnp.concatenate([outp_ref[0], outp_ref[1]], axis=-1)
    an = jnp.concatenate([attnp_ref[0, :, :NHC],
                          attnp_ref[1, :, :NHC]], axis=-1)
    r = lax.broadcasted_iota(jnp.int32, (NH, D), 0)
    col = lax.broadcasted_iota(jnp.int32, (NH, D), 1)
    expand = jnp.where((col // HD) == r, 1.0, 0.0).astype(jnp.float32)
    den = jnp.dot(an, expand, preferred_element_type=jnp.float32)
    x = raw / (den + 1e-8) + emb_ref[...]
    mean = jnp.mean(x, axis=-1, keepdims=True)
    var = jnp.mean((x - mean) ** 2, axis=-1, keepdims=True)
    o_ref[...] = ((x - mean) / jnp.sqrt(var + 1e-6)) * scale_ref[...] + bias_ref[...]


def _finalize(outp, attnp, embeds, ln_scale, ln_bias):
    bn = 1000
    grid = (N_NODES // bn,)
    outp3 = outp.reshape(NC, N_PAD, HF)[:, :N_NODES, :]
    attnp3 = attnp.reshape(NC, N_PAD, 16)[:, :N_NODES, :]
    return pl.pallas_call(
        _final_body,
        grid=grid,
        in_specs=[
            pl.BlockSpec((NC, bn, HF), lambda i: (0, i, 0)),
            pl.BlockSpec((NC, bn, 16), lambda i: (0, i, 0)),
            pl.BlockSpec((bn, D), lambda i: (i, 0)),
            pl.BlockSpec((1, D), lambda i: (0, 0)),
            pl.BlockSpec((1, D), lambda i: (0, 0)),
        ],
        out_specs=pl.BlockSpec((bn, D), lambda i: (i, 0)),
        out_shape=jax.ShapeDtypeStruct((N_NODES, D), jnp.float32),
    )(outp3, attnp3, embeds, ln_scale.reshape(1, D), ln_bias.reshape(1, D))



def kernel(embeds, edge_index, qTrans, kTrans, vTrans, ln_scale, ln_bias):
    rows = edge_index[0].astype(jnp.int32)
    cols = edge_index[1].astype(jnp.int32)
    q, k, v = _qkv(embeds, qTrans, kTrans, vTrans)
    outp, attnp = _edge_pass(q, k, v, rows, cols)
    return _finalize(outp, attnp, embeds, ln_scale, ln_bias)

# --- scband reference (transcript-rebuilt; emitter-appended) ---
"""Pipeline reference for scband-gtlayer-49709951484800 (READ-ONLY COPY).

The authoritative reference and input builder live on the scoring server;
editing this copy changes nothing except your own understanding.
"""

import jax, jax.numpy as jnp
import numpy as np

D_MODEL = 128
N_HEAD = 8
N_NODES = 10000
N_EDGES = 320000


def setup_inputs(seed: int = 0) -> dict:
    key = jax.random.key(seed)
    k1, k2, k3, k4, k5 = jax.random.split(key, 5)
    embeds = jax.random.normal(k1, (N_NODES, D_MODEL), dtype=jnp.float32)
    edge_index = jax.random.randint(k2, (2, N_EDGES), 0, N_NODES, dtype=jnp.int64)
    # xavier_uniform bound for (d_model, d_model): sqrt(6/(d+d))
    bound = float(np.sqrt(6.0 / (D_MODEL + D_MODEL)))
    qTrans = jax.random.uniform(k3, (D_MODEL, D_MODEL), dtype=jnp.float32, minval=-bound, maxval=bound)
    kTrans = jax.random.uniform(k4, (D_MODEL, D_MODEL), dtype=jnp.float32, minval=-bound, maxval=bound)
    vTrans = jax.random.uniform(k5, (D_MODEL, D_MODEL), dtype=jnp.float32, minval=-bound, maxval=bound)
    ln_scale = jnp.ones((D_MODEL,), dtype=jnp.float32)
    ln_bias = jnp.zeros((D_MODEL,), dtype=jnp.float32)
    return {"embeds": embeds, "edge_index": edge_index, "qTrans": qTrans, "kTrans": kTrans, "vTrans": vTrans, "ln_scale": ln_scale, "ln_bias": ln_bias}


def _layer_norm(x, scale, bias, eps=1e-06):
    mean = jnp.mean(x, axis=-1, keepdims=True)
    var = jnp.mean((x - mean) ** 2, axis=-1, keepdims=True)
    return (x - mean) / jnp.sqrt(var + eps) * scale + bias


def reference(embeds, edge_index, qTrans, kTrans, vTrans, ln_scale, ln_bias):
    rows = edge_index[0]
    cols = edge_index[1]
    nvar = embeds.shape[0]
    rowE = jnp.take(embeds, rows, axis=0)
    colE = jnp.take(embeds, cols, axis=0)
    evar = rowE.shape[0]
    hd = D_MODEL // N_HEAD
    qE = (rowE @ qTrans).reshape(evar, N_HEAD, hd)
    kE = (colE @ kTrans).reshape(evar, N_HEAD, hd)
    vE = (colE @ vTrans).reshape(evar, N_HEAD, hd)
    att = jnp.clip(jnp.einsum('ehd,ehd->eh', qE, kE), -10.0, 10.0)
    expAtt = jnp.exp(att)
    attNorm = jax.ops.segment_sum(expAtt, rows, num_segments=nvar)
    attNorm = jnp.take(attNorm, rows, axis=0)
    att = expAtt / (attNorm + 1e-08)
    resE = jnp.einsum('eh,ehd->ehd', att, vE).reshape(evar, D_MODEL)
    resE = jax.ops.segment_sum(resE, rows, num_segments=nvar)
    return _layer_norm(resE + embeds, ln_scale, ln_bias)

if __name__ == "__main__":
    import jax
    _d = setup_inputs()
    print(jax.jit(kernel)(*tuple(_d.values())))

</pallas_src>

<mosaic_0001>
#map = affine_map<(d0, d1) -> (0, 0)>
#map1 = affine_map<(d0, d1) -> (0)>
module attributes {stable_mosaic.version = 14 : i64} {
  func.func @_edge_body(%arg0: i32, %arg1: i32, %arg2: memref<20000x64xf32, #tpu.memory_space<hbm>>, %arg3: memref<20000x64xf32, #tpu.memory_space<hbm>>, %arg4: memref<20000x64xf32, #tpu.memory_space<hbm>>, %arg5: memref<320000xi32, #tpu.memory_space<hbm>>, %arg6: memref<640000xi32, #tpu.memory_space<hbm>>, %arg7: memref<640000xi32, #tpu.memory_space<hbm>>, %arg8: memref<10240x64xf32, #tpu.memory_space<hbm>>, %arg9: memref<10240x16xf32, #tpu.memory_space<hbm>>, %arg10: memref<20480x64xf32, #tpu.memory_space<hbm>>, %arg11: memref<20480x16xf32, #tpu.memory_space<hbm>>, %arg12: memref<160xi32, #tpu.memory_space<vmem>>, %arg13: memref<160xi32, #tpu.memory_space<vmem>>, %arg14: memref<160xi32, #tpu.memory_space<vmem>>, %arg15: memref<160x64xf32, #tpu.memory_space<vmem>>, %arg16: memref<160x64xf32, #tpu.memory_space<vmem>>, %arg17: memref<160x64xf32, #tpu.memory_space<vmem>>, %arg18: memref<160x64xf32, #tpu.memory_space<vmem>>, %arg19: memref<160x16xf32, #tpu.memory_space<vmem>>, %arg20: memref<10240x64xf32, #tpu.memory_space<vmem_shared>>, %arg21: memref<10240x16xf32, #tpu.memory_space<vmem_shared>>, %arg22: memref<!tpu.dma_semaphore, #tpu.memory_space<semaphore_mem>>) attributes {dimension_semantics = [#tpu.dimension_semantics<core_parallel>, #tpu.dimension_semantics<subcore_parallel>], iteration_bounds = array<i64: 2, 16>, scalar_prefetch = 0 : i64, scratch_operands = 11 : i64, tpu.core_type = #tpu.core_type<sc_vector_subcore>, window_params = [{transform_indices = #map}, {transform_indices = #map}, {transform_indices = #map}, {transform_indices = #map1}, {transform_indices = #map1}, {transform_indices = #map1}, {transform_indices = #map}, {transform_indices = #map}, {transform_indices = #map}, {transform_indices = #map}]} {
    %mul3A = arith.constant 640 : i32
    %mul3A_0 = arith.muli %arg1, %mul3A : i32
    %mul3A_1 = arith.constant 640 : i32
    %mul3A_2 = arith.muli %arg1, %mul3A_1 : i32
    "tpu.region"() ({
      %run_scoped3A = tpu.sem_alloc : memref<!tpu.dma_semaphore, #tpu.memory_space<semaphore_mem>>
      %dma_start3A = arith.constant 0 : i32
      %dma_start3A_37 = tpu.memref_slice %arg20[%mul3A_2, %dma_start3A] : memref<10240x64xf32, #tpu.memory_space<vmem_shared>> -> memref<640x64xf32, #tpu.memory_space<vmem_shared>>
      %dma_start3A_38 = arith.constant 0 : i32
      %dma_start3A_39 = tpu.memref_slice %arg8[%mul3A_0, %dma_start3A_38] : memref<10240x64xf32, #tpu.memory_space<hbm>> -> memref<640x64xf32, #tpu.memory_space<hbm>>
      tpu.enqueue_dma source(%dma_start3A_39 : memref<640x64xf32, #tpu.memory_space<hbm>>) target(%dma_start3A_37 : memref<640x64xf32, #tpu.memory_space<vmem_shared>>) target_semaphore(%run_scoped3A : memref<!tpu.dma_semaphore, #tpu.memory_space<semaphore_mem>>)
      %dma_wait3A = arith.constant 0 : i32
      %dma_wait3A_40 = tpu.memref_slice %arg20[%mul3A_2, %dma_wait3A] : memref<10240x64xf32, #tpu.memory_space<vmem_shared>> -> memref<640x64xf32, #tpu.memory_space<vmem_shared>>
      %dma_wait3A_41 = arith.constant 0 : i32
      %dma_wait3A_42 = tpu.memref_slice %arg8[%mul3A_0, %dma_wait3A_41] : memref<10240x64xf32, #tpu.memory_space<hbm>> -> memref<640x64xf32, #tpu.memory_space<hbm>>
      tpu.wait_dma2 semaphore(%run_scoped3A : memref<!tpu.dma_semaphore, #tpu.memory_space<semaphore_mem>>) src(%dma_wait3A_42 : memref<640x64xf32, #tpu.memory_space<hbm>>) dst(%dma_wait3A_40 : memref<640x64xf32, #tpu.memory_space<vmem_shared>>)
      tpu.yield
    }) : () -> ()
    %mul3A_3 = arith.constant 640 : i32
    %mul3A_4 = arith.muli %arg1, %mul3A_3 : i32
    %mul3A_5 = arith.constant 640 : i32
    %mul3A_6 = arith.muli %arg1, %mul3A_5 : i32
    "tpu.region"() ({
      %run_scoped3A = tpu.sem_alloc : memref<!tpu.dma_semaphore, #tpu.memory_space<semaphore_mem>>
      %dma_start3A = arith.constant 0 : i32
      %dma_start3A_37 = tpu.memref_slice %arg21[%mul3A_6, %dma_start3A] : memref<10240x16xf32, #tpu.memory_space<vmem_shared>> -> memref<640x16xf32, #tpu.memory_space<vmem_shared>>
      %dma_start3A_38 = arith.constant 0 : i32
      %dma_start3A_39 = tpu.memref_slice %arg9[%mul3A_4, %dma_start3A_38] : memref<10240x16xf32, #tpu.memory_space<hbm>> -> memref<640x16xf32, #tpu.memory_space<hbm>>
      tpu.enqueue_dma source(%dma_start3A_39 : memref<640x16xf32, #tpu.memory_space<hbm>>) target(%dma_start3A_37 : memref<640x16xf32, #tpu.memory_space<vmem_shared>>) target_semaphore(%run_scoped3A : memref<!tpu.dma_semaphore, #tpu.memory_space<semaphore_mem>>)
      %dma_wait3A = arith.constant 0 : i32
      %dma_wait3A_40 = tpu.memref_slice %arg21[%mul3A_6, %dma_wait3A] : memref<10240x16xf32, #tpu.memory_space<vmem_shared>> -> memref<640x16xf32, #tpu.memory_space<vmem_shared>>
      %dma_wait3A_41 = arith.constant 0 : i32
      %dma_wait3A_42 = tpu.memref_slice %arg9[%mul3A_4, %dma_wait3A_41] : memref<10240x16xf32, #tpu.memory_space<hbm>> -> memref<640x16xf32, #tpu.memory_space<hbm>>
      tpu.wait_dma2 semaphore(%run_scoped3A : memref<!tpu.dma_semaphore, #tpu.memory_space<semaphore_mem>>) src(%dma_wait3A_42 : memref<640x16xf32, #tpu.memory_space<hbm>>) dst(%dma_wait3A_40 : memref<640x16xf32, #tpu.memory_space<vmem_shared>>)
      tpu.yield
    }) : () -> ()
    %barrier3A = arith.constant 0 : index
    tpu.barrier barrier_id(%barrier3A)
    %iota3A = tpu.iota {dimensions = array<i32: 0>} : vector<16xi32>
    %xor3A = arith.constant 8 : i32
    %xor3A_7 = vector.broadcast %xor3A : i32 to vector<16xi32>
    %xor3A_8 = arith.xori %iota3A, %xor3A_7 : vector<16xi32>
    %xor3A_9 = arith.constant 4 : i32
    %xor3A_10 = vector.broadcast %xor3A_9 : i32 to vector<16xi32>
    %xor3A_11 = arith.xori %iota3A, %xor3A_10 : vector<16xi32>
    %xor3A_12 = arith.constant 2 : i32
    %xor3A_13 = vector.broadcast %xor3A_12 : i32 to vector<16xi32>
    %xor3A_14 = arith.xori %iota3A, %xor3A_13 : vector<16xi32>
    %xor3A_15 = arith.constant 1 : i32
    %xor3A_16 = vector.broadcast %xor3A_15 : i32 to vector<16xi32>
    %xor3A_17 = arith.xori %iota3A, %xor3A_16 : vector<16xi32>
    %scan3A = arith.constant 0 : i32
    %scan3A_18 = arith.constant 0 : i32
    %scan3A_19 = arith.constant 125 : i32
    %scan3A_20 = arith.addi %scan3A_18, %scan3A_19 : i32
    %scan3A_21 = arith.constant 1 : i32
    scf.for %scan3A_37 = %scan3A_18 to %scan3A_20 step %scan3A_21  : i32 {
      %mul3A_38 = arith.constant 20000 : i32
      %mul3A_39 = arith.muli %arg1, %mul3A_38 : i32
      %mul3A_40 = arith.constant 160 : i32
      %mul3A_41 = arith.muli %scan3A_37, %mul3A_40 : i32
      %add3A_42 = arith.addi %mul3A_39, %mul3A_41 : i32
      %mul3A_43 = arith.constant 320000 : i32
      %mul3A_44 = arith.muli %arg0, %mul3A_43 : i32
      %add3A_45 = arith.addi %mul3A_44, %add3A_42 : i32
      "tpu.region"() ({
        %run_scoped3A = tpu.sem_alloc : memref<!tpu.dma_semaphore, #tpu.memory_space<semaphore_mem>>
        %dma_start3A_68 = tpu.memref_slice %arg5[%add3A_42] : memref<320000xi32, #tpu.memory_space<hbm>> -> memref<160xi32, #tpu.memory_space<hbm>>
        %dma_start3A_69 = tpu.memref_slice %arg5[%add3A_42] : memref<320000xi32, #tpu.memory_space<hbm>> -> memref<160xi32, #tpu.memory_space<hbm>>
        tpu.enqueue_dma source(%dma_start3A_69 : memref<160xi32, #tpu.memory_space<hbm>>) target(%arg12 : memref<160xi32, #tpu.memory_space<vmem>>) target_semaphore(%run_scoped3A : memref<!tpu.dma_semaphore, #tpu.memory_space<semaphore_mem>>)
        %dma_wait3A_70 = tpu.memref_slice %arg5[%add3A_42] : memref<320000xi32, #tpu.memory_space<hbm>> -> memref<160xi32, #tpu.memory_space<hbm>>
        %dma_wait3A_71 = tpu.memref_slice %arg5[%add3A_42] : memref<320000xi32, #tpu.memory_space<hbm>> -> memref<160xi32, #tpu.memory_space<hbm>>
        tpu.wait_dma2 semaphore(%run_scoped3A : memref<!tpu.dma_semaphore, #tpu.memory_space<semaphore_mem>>) src(%dma_wait3A_71 : memref<160xi32, #tpu.memory_space<hbm>>) dst(%arg12 : memref<160xi32, #tpu.memory_space<vmem>>)
        tpu.yield
      }) : () -> ()
      "tpu.region"() ({
        %run_scoped3A = tpu.sem_alloc : memref<!tpu.dma_semaphore, #tpu.memory_space<semaphore_mem>>
        %dma_start3A_68 = tpu.memref_slice %arg6[%add3A_45] : memref<640000xi32, #tpu.memory_space<hbm>> -> memref<160xi32, #tpu.memory_space<hbm>>
        %dma_start3A_69 = tpu.memref_slice %arg6[%add3A_45] : memref<640000xi32, #tpu.memory_space<hbm>> -> memref<160xi32, #tpu.memory_space<hbm>>
        tpu.enqueue_dma source(%dma_start3A_69 : memref<160xi32, #tpu.memory_space<hbm>>) target(%arg13 : memref<160xi32, #tpu.memory_space<vmem>>) target_semaphore(%run_scoped3A : memref<!tpu.dma_semaphore, #tpu.memory_space<semaphore_mem>>)
        %dma_wait3A_70 = tpu.memref_slice %arg6[%add3A_45] : memref<640000xi32, #tpu.memory_space<hbm>> -> memref<160xi32, #tpu.memory_space<hbm>>
        %dma_wait3A_71 = tpu.memref_slice %arg6[%add3A_45] : memref<640000xi32, #tpu.memory_space<hbm>> -> memref<160xi32, #tpu.memory_space<hbm>>
        tpu.wait_dma2 semaphore(%run_scoped3A : memref<!tpu.dma_semaphore, #tpu.memory_space<semaphore_mem>>) src(%dma_wait3A_71 : memref<160xi32, #tpu.memory_space<hbm>>) dst(%arg13 : memref<160xi32, #tpu.memory_space<vmem>>)
        tpu.yield
      }) : () -> ()
      "tpu.region"() ({
        %run_scoped3A = tpu.sem_alloc : memref<!tpu.dma_semaphore, #tpu.memory_space<semaphore_mem>>
        %dma_start3A_68 = tpu.memref_slice %arg7[%add3A_45] : memref<640000xi32, #tpu.memory_space<hbm>> -> memref<160xi32, #tpu.memory_space<hbm>>
        %dma_start3A_69 = tpu.memref_slice %arg7[%add3A_45] : memref<640000xi32, #tpu.memory_space<hbm>> -> memref<160xi32, #tpu.memory_space<hbm>>
        tpu.enqueue_dma source(%dma_start3A_69 : memref<160xi32, #tpu.memory_space<hbm>>) target(%arg14 : memref<160xi32, #tpu.memory_space<vmem>>) target_semaphore(%run_scoped3A : memref<!tpu.dma_semaphore, #tpu.memory_space<semaphore_mem>>)
        %dma_wait3A_70 = tpu.memref_slice %arg7[%add3A_45] : memref<640000xi32, #tpu.memory_space<hbm>> -> memref<160xi32, #tpu.memory_space<hbm>>
        %dma_wait3A_71 = tpu.memref_slice %arg7[%add3A_45] : memref<640000xi32, #tpu.memory_space<hbm>> -> memref<160xi32, #tpu.memory_space<hbm>>
        tpu.wait_dma2 semaphore(%run_scoped3A : memref<!tpu.dma_semaphore, #tpu.memory_space<semaphore_mem>>) src(%dma_wait3A_71 : memref<160xi32, #tpu.memory_space<hbm>>) dst(%arg14 : memref<160xi32, #tpu.memory_space<vmem>>)
        tpu.yield
      }) : () -> ()
      %dma_start3A = arith.constant 0 : i32
      %dma_start3A_46 = arith.constant 0 : i32
      %dma_start3A_47 = tpu.memref_slice %arg2[%dma_start3A, %dma_start3A_46] : memref<20000x64xf32, #tpu.memory_space<hbm>> -> memref<20000x64xf32, #tpu.memory_space<hbm>>
      tpu.enqueue_indirect_dma source(%dma_start3A_47 : memref<20000x64xf32, #tpu.memory_space<hbm>>) target(%arg15 : memref<160x64xf32, #tpu.memory_space<vmem>>) offsets(%arg13 : memref<160xi32, #tpu.memory_space<vmem>>) semaphore(%arg22 : memref<!tpu.dma_semaphore, #tpu.memory_space<semaphore_mem>>)
      %dma_wait3A = arith.constant 0 : i32
      %dma_wait3A_48 = arith.constant 0 : i32
      %dma_wait3A_49 = tpu.memref_slice %arg2[%dma_wait3A, %dma_wait3A_48] : memref<20000x64xf32, #tpu.memory_space<hbm>> -> memref<20000x64xf32, #tpu.memory_space<hbm>>
      tpu.wait_indirect_dma semaphore(%arg22 : memref<!tpu.dma_semaphore, #tpu.memory_space<semaphore_mem>>) src(%dma_wait3A_49 : memref<20000x64xf32, #tpu.memory_space<hbm>>) dst(%arg15 : memref<160x64xf32, #tpu.memory_space<vmem>>)
      %dma_start3A_50 = arith.constant 0 : i32
      %dma_start3A_51 = arith.constant 0 : i32
      %dma_start3A_52 = tpu.memref_slice %arg3[%dma_start3A_50, %dma_start3A_51] : memref<20000x64xf32, #tpu.memory_space<hbm>> -> memref<20000x64xf32, #tpu.memory_space<hbm>>
      tpu.enqueue_indirect_dma source(%dma_start3A_52 : memref<20000x64xf32, #tpu.memory_space<hbm>>) target(%arg16 : memref<160x64xf32, #tpu.memory_space<vmem>>) offsets(%arg14 : memref<160xi32, #tpu.memory_space<vmem>>) semaphore(%arg22 : memref<!tpu.dma_semaphore, #tpu.memory_space<semaphore_mem>>)
      %dma_wait3A_53 = arith.constant 0 : i32
      %dma_wait3A_54 = arith.constant 0 : i32
      %dma_wait3A_55 = tpu.memref_slice %arg3[%dma_wait3A_53, %dma_wait3A_54] : memref<20000x64xf32, #tpu.memory_space<hbm>> -> memref<20000x64xf32, #tpu.memory_space<hbm>>
      tpu.wait_indirect_dma semaphore(%arg22 : memref<!tpu.dma_semaphore, #tpu.memory_space<semaphore_mem>>) src(%dma_wait3A_55 : memref<20000x64xf32, #tpu.memory_space<hbm>>) dst(%arg16 : memref<160x64xf32, #tpu.memory_space<vmem>>)
      %dma_start3A_56 = arith.constant 0 : i32
      %dma_start3A_57 = arith.constant 0 : i32
      %dma_start3A_58 = tpu.memref_slice %arg4[%dma_start3A_56, %dma_start3A_57] : memref<20000x64xf32, #tpu.memory_space<hbm>> -> memref<20000x64xf32, #tpu.memory_space<hbm>>
      tpu.enqueue_indirect_dma source(%dma_start3A_58 : memref<20000x64xf32, #tpu.memory_space<hbm>>) target(%arg17 : memref<160x64xf32, #tpu.memory_space<vmem>>) offsets(%arg14 : memref<160xi32, #tpu.memory_space<vmem>>) semaphore(%arg22 : memref<!tpu.dma_semaphore, #tpu.memory_space<semaphore_mem>>)
      %dma_wait3A_59 = arith.constant 0 : i32
      %dma_wait3A_60 = arith.constant 0 : i32
      %dma_wait3A_61 = tpu.memref_slice %arg4[%dma_wait3A_59, %dma_wait3A_60] : memref<20000x64xf32, #tpu.memory_space<hbm>> -> memref<20000x64xf32, #tpu.memory_space<hbm>>
      tpu.wait_indirect_dma semaphore(%arg22 : memref<!tpu.dma_semaphore, #tpu.memory_space<semaphore_mem>>) src(%dma_wait3A_61 : memref<20000x64xf32, #tpu.memory_space<hbm>>) dst(%arg17 : memref<160x64xf32, #tpu.memory_space<vmem>>)
      %scan3A_62 = arith.constant 0 : i32
      %scan3A_63 = arith.constant 0 : i32
      %scan3A_64 = arith.constant 160 : i32
      %scan3A_65 = arith.addi %scan3A_63, %scan3A_64 : i32
      %scan3A_66 = arith.constant 1 : i32
      scf.for %scan3A_68 = %scan3A_63 to %scan3A_65 step %scan3A_66  : i32 {
        %broadcast_in_dim3A = arith.constant 0.000000e+00 : f32
        %broadcast_in_dim3A_69 = vector.broadcast %broadcast_in_dim3A : f32 to vector<16xf32>
        %get3A = arith.index_cast %scan3A_68 : i32 to index
        %get3A_70 = arith.constant 0 : index
        %get3A_71 = tpu.vector_load %arg15[%get3A, %get3A_70] {strides = array<i32>} : memref<160x64xf32, #tpu.memory_space<vmem>>, vector<1x16xf32>,
        %get3A_72 = vector.shape_cast %get3A_71 : vector<1x16xf32> to vector<16xf32>
        %get3A_73 = arith.index_cast %scan3A_68 : i32 to index
        %get3A_74 = arith.constant 0 : index
        %get3A_75 = tpu.vector_load %arg16[%get3A_73, %get3A_74] {strides = array<i32>} : memref<160x64xf32, #tpu.memory_space<vmem>>, vector<1x16xf32>,
        %get3A_76 = vector.shape_cast %get3A_75 : vector<1x16xf32> to vector<16xf32>
        %mul3A_77 = arith.mulf %get3A_72, %get3A_76 : vector<16xf32>
        %broadcast_in_dim3A_78 = vector.shape_cast %xor3A_8 : vector<16xi32> to vector<16x1xi32>
        %gather3A = vector.shape_cast %broadcast_in_dim3A_78 : vector<16x1xi32> to vector<16xi32>
        %gather3A_79 = tpu.dynamic_gather %mul3A_77[%gather3A] in [0] : vector<16xf32>, vector<16xi32> -> vector<16xf32>
        %add3A_80 = arith.addf %mul3A_77, %gather3A_79 : vector<16xf32>
        %broadcast_in_dim3A_81 = vector.shape_cast %xor3A_11 : vector<16xi32> to vector<16x1xi32>
        %gather3A_82 = vector.shape_cast %broadcast_in_dim3A_81 : vector<16x1xi32> to vector<16xi32>
        %gather3A_83 = tpu.dynamic_gather %add3A_80[%gather3A_82] in [0] : vector<16xf32>, vector<16xi32> -> vector<16xf32>
        %add3A_84 = arith.addf %add3A_80, %gather3A_83 : vector<16xf32>
        %broadcast_in_dim3A_85 = vector.shape_cast %xor3A_14 : vector<16xi32> to vector<16x1xi32>
        %gather3A_86 = vector.shape_cast %broadcast_in_dim3A_85 : vector<16x1xi32> to vector<16xi32>
        %gather3A_87 = tpu.dynamic_gather %add3A_84[%gather3A_86] in [0] : vector<16xf32>, vector<16xi32> -> vector<16xf32>
        %add3A_88 = arith.addf %add3A_84, %gather3A_87 : vector<16xf32>
        %broadcast_in_dim3A_89 = vector.shape_cast %xor3A_17 : vector<16xi32> to vector<16x1xi32>
        %gather3A_90 = vector.shape_cast %broadcast_in_dim3A_89 : vector<16x1xi32> to vector<16xi32>
        %gather3A_91 = tpu.dynamic_gather %add3A_88[%gather3A_90] in [0] : vector<16xf32>, vector<16xi32> -> vector<16xf32>
        %add3A_92 = arith.addf %add3A_88, %gather3A_91 : vector<16xf32>
        %max3A = arith.constant -1.000000e+01 : f32
        %max3A_93 = vector.broadcast %max3A : f32 to vector<16xf32>
        %max3A_94 = arith.maximumf %add3A_92, %max3A_93 : vector<16xf32>
        %min3A = arith.constant 1.000000e+01 : f32
        %min3A_95 = vector.broadcast %min3A : f32 to vector<16xf32>
        %min3A_96 = arith.minimumf %max3A_94, %min3A_95 : vector<16xf32>
        %exp3A = math.exp %min3A_96 : vector<16xf32>
        %get3A_97 = arith.index_cast %scan3A_68 : i32 to index
        %get3A_98 = arith.constant 0 : index
        %get3A_99 = tpu.vector_load %arg17[%get3A_97, %get3A_98] {strides = array<i32>} : memref<160x64xf32, #tpu.memory_space<vmem>>, vector<1x16xf32>,
        %get3A_100 = vector.shape_cast %get3A_99 : vector<1x16xf32> to vector<16xf32>
        %mul3A_101 = arith.mulf %exp3A, %get3A_100 : vector<16xf32>
        %swap3A = arith.index_cast %scan3A_68 : i32 to index
        %swap3A_102 = arith.constant 0 : index
        %swap3A_103 = tpu.vector_load %arg18[%swap3A, %swap3A_102] {strides = array<i32>} : memref<160x64xf32, #tpu.memory_space<vmem>>, vector<1x16xf32>,
        %swap3A_104 = vector.shape_cast %swap3A_103 : vector<1x16xf32> to vector<16xf32>
        %swap3A_105 = vector.shape_cast %mul3A_101 : vector<16xf32> to vector<1x16xf32>
        tpu.vector_store %arg18[%swap3A, %swap3A_102], %swap3A_105 {strides = array<i32>} : memref<160x64xf32, #tpu.memory_space<vmem>>, vector<1x16xf32>,
        %eq3A = arith.constant 0 : i32
        %eq3A_106 = vector.broadcast %eq3A : i32 to vector<16xi32>
        %eq3A_107 = arith.cmpi eq, %iota3A, %eq3A_106 : vector<16xi32>
        %select_n3A = arith.select %eq3A_107, %exp3A, %broadcast_in_dim3A_69 : vector<16xi1>, vector<16xf32>
        %get3A_108 = arith.index_cast %scan3A_68 : i32 to index
        %get3A_109 = arith.constant 16 : index
        %get3A_110 = tpu.vector_load %arg15[%get3A_108, %get3A_109] {strides = array<i32>} : memref<160x64xf32, #tpu.memory_space<vmem>>, vector<1x16xf32>,
        %get3A_111 = vector.shape_cast %get3A_110 : vector<1x16xf32> to vector<16xf32>
        %get3A_112 = arith.index_cast %scan3A_68 : i32 to index
        %get3A_113 = arith.constant 16 : index
        %get3A_114 = tpu.vector_load %arg16[%get3A_112, %get3A_113] {strides = array<i32>} : memref<160x64xf32, #tpu.memory_space<vmem>>, vector<1x16xf32>,
        %get3A_115 = vector.shape_cast %get3A_114 : vector<1x16xf32> to vector<16xf32>
        %mul3A_116 = arith.mulf %get3A_111, %get3A_115 : vector<16xf32>
        %broadcast_in_dim3A_117 = vector.shape_cast %xor3A_8 : vector<16xi32> to vector<16x1xi32>
        %gather3A_118 = vector.shape_cast %broadcast_in_dim3A_117 : vector<16x1xi32> to vector<16xi32>
        %gather3A_119 = tpu.dynamic_gather %mul3A_116[%gather3A_118] in [0] : vector<16xf32>, vector<16xi32> -> vector<16xf32>
        %add3A_120 = arith.addf %mul3A_116, %gather3A_119 : vector<16xf32>
        %broadcast_in_dim3A_121 = vector.shape_cast %xor3A_11 : vector<16xi32> to vector<16x1xi32>
        %gather3A_122 = vector.shape_cast %broadcast_in_dim3A_121 : vector<16x1xi32> to vector<16xi32>
        %gather3A_123 = tpu.dynamic_gather %add3A_120[%gather3A_122] in [0] : vector<16xf32>, vector<16xi32> -> vector<16xf32>
        %add3A_124 = arith.addf %add3A_120, %gather3A_123 : vector<16xf32>
        %broadcast_in_dim3A_125 = vector.shape_cast %xor3A_14 : vector<16xi32> to vector<16x1xi32>
        %gather3A_126 = vector.shape_cast %broadcast_in_dim3A_125 : vector<16x1xi32> to vector<16xi32>
        %gather3A_127 = tpu.dynamic_gather %add3A_124[%gather3A_126] in [0] : vector<16xf32>, vector<16xi32> -> vector<16xf32>
        %add3A_128 = arith.addf %add3A_124, %gather3A_127 : vector<16xf32>
        %broadcast_in_dim3A_129 = vector.shape_cast %xor3A_17 : vector<16xi32> to vector<16x1xi32>
        %gather3A_130 = vector.shape_cast %broadcast_in_dim3A_129 : vector<16x1xi32> to vector<16xi32>
        %gather3A_131 = tpu.dynamic_gather %add3A_128[%gather3A_130] in [0] : vector<16xf32>, vector<16xi32> -> vector<16xf32>
        %add3A_132 = arith.addf %add3A_128, %gather3A_131 : vector<16xf32>
        %max3A_133 = arith.constant -1.000000e+01 : f32
        %max3A_134 = vector.broadcast %max3A_133 : f32 to vector<16xf32>
        %max3A_135 = arith.maximumf %add3A_132, %max3A_134 : vector<16xf32>
        %min3A_136 = arith.constant 1.000000e+01 : f32
        %min3A_137 = vector.broadcast %min3A_136 : f32 to vector<16xf32>
        %min3A_138 = arith.minimumf %max3A_135, %min3A_137 : vector<16xf32>
        %exp3A_139 = math.exp %min3A_138 : vector<16xf32>
        %get3A_140 = arith.index_cast %scan3A_68 : i32 to index
        %get3A_141 = arith.constant 16 : index
        %get3A_142 = tpu.vector_load %arg17[%get3A_140, %get3A_141] {strides = array<i32>} : memref<160x64xf32, #tpu.memory_space<vmem>>, vector<1x16xf32>,
        %get3A_143 = vector.shape_cast %get3A_142 : vector<1x16xf32> to vector<16xf32>
        %mul3A_144 = arith.mulf %exp3A_139, %get3A_143 : vector<16xf32>
        %swap3A_145 = arith.index_cast %scan3A_68 : i32 to index
        %swap3A_146 = arith.constant 16 : index
        %swap3A_147 = tpu.vector_load %arg18[%swap3A_145, %swap3A_146] {strides = array<i32>} : memref<160x64xf32, #tpu.memory_space<vmem>>, vector<1x16xf32>,
        %swap3A_148 = vector.shape_cast %swap3A_147 : vector<1x16xf32> to vector<16xf32>
        %swap3A_149 = vector.shape_cast %mul3A_144 : vector<16xf32> to vector<1x16xf32>
        tpu.vector_store %arg18[%swap3A_145, %swap3A_146], %swap3A_149 {strides = array<i32>} : memref<160x64xf32, #tpu.memory_space<vmem>>, vector<1x16xf32>,
        %eq3A_150 = arith.constant 1 : i32
        %eq3A_151 = vector.broadcast %eq3A_150 : i32 to vector<16xi32>
        %eq3A_152 = arith.cmpi eq, %iota3A, %eq3A_151 : vector<16xi32>
        %select_n3A_153 = arith.select %eq3A_152, %exp3A_139, %select_n3A : vector<16xi1>, vector<16xf32>
        %get3A_154 = arith.index_cast %scan3A_68 : i32 to index
        %get3A_155 = arith.constant 32 : index
        %get3A_156 = tpu.vector_load %arg15[%get3A_154, %get3A_155] {strides = array<i32>} : memref<160x64xf32, #tpu.memory_space<vmem>>, vector<1x16xf32>,
        %get3A_157 = vector.shape_cast %get3A_156 : vector<1x16xf32> to vector<16xf32>
        %get3A_158 = arith.index_cast %scan3A_68 : i32 to index
        %get3A_159 = arith.constant 32 : index
        %get3A_160 = tpu.vector_load %arg16[%get3A_158, %get3A_159] {strides = array<i32>} : memref<160x64xf32, #tpu.memory_space<vmem>>, vector<1x16xf32>,
        %get3A_161 = vector.shape_cast %get3A_160 : vector<1x16xf32> to vector<16xf32>
        %mul3A_162 = arith.mulf %get3A_157, %get3A_161 : vector<16xf32>
        %broadcast_in_dim3A_163 = vector.shape_cast %xor3A_8 : vector<16xi32> to vector<16x1xi32>
        %gather3A_164 = vector.shape_cast %broadcast_in_dim3A_163 : vector<16x1xi32> to vector<16xi32>
        %gather3A_165 = tpu.dynamic_gather %mul3A_162[%gather3A_164] in [0] : vector<16xf32>, vector<16xi32> -> vector<16xf32>
        %add3A_166 = arith.addf %mul3A_162, %gather3A_165 : vector<16xf32>
        %broadcast_in_dim3A_167 = vector.shape_cast %xor3A_11 : vector<16xi32> to vector<16x1xi32>
        %gather3A_168 = vector.shape_cast %broadcast_in_dim3A_167 : vector<16x1xi32> to vector<16xi32>
        %gather3A_169 = tpu.dynamic_gather %add3A_166[%gather3A_168] in [0] : vector<16xf32>, vector<16xi32> -> vector<16xf32>
        %add3A_170 = arith.addf %add3A_166, %gather3A_169 : vector<16xf32>
        %broadcast_in_dim3A_171 = vector.shape_cast %xor3A_14 : vector<16xi32> to vector<16x1xi32>
        %gather3A_172 = vector.shape_cast %broadcast_in_dim3A_171 : vector<16x1xi32> to vector<16xi32>
        %gather3A_173 = tpu.dynamic_gather %add3A_170[%gather3A_172] in [0] : vector<16xf32>, vector<16xi32> -> vector<16xf32>
        %add3A_174 = arith.addf %add3A_170, %gather3A_173 : vector<16xf32>
        %broadcast_in_dim3A_175 = vector.shape_cast %xor3A_17 : vector<16xi32> to vector<16x1xi32>
        %gather3A_176 = vector.shape_cast %broadcast_in_dim3A_175 : vector<16x1xi32> to vector<16xi32>
        %gather3A_177 = tpu.dynamic_gather %add3A_174[%gather3A_176] in [0] : vector<16xf32>, vector<16xi32> -> vector<16xf32>
        %add3A_178 = arith.addf %add3A_174, %gather3A_177 : vector<16xf32>
        %max3A_179 = arith.constant -1.000000e+01 : f32
        %max3A_180 = vector.broadcast %max3A_179 : f32 to vector<16xf32>
        %max3A_181 = arith.maximumf %add3A_178, %max3A_180 : vector<16xf32>
        %min3A_182 = arith.constant 1.000000e+01 : f32
        %min3A_183 = vector.broadcast %min3A_182 : f32 to vector<16xf32>
        %min3A_184 = arith.minimumf %max3A_181, %min3A_183 : vector<16xf32>
        %exp3A_185 = math.exp %min3A_184 : vector<16xf32>
        %get3A_186 = arith.index_cast %scan3A_68 : i32 to index
        %get3A_187 = arith.constant 32 : index
        %get3A_188 = tpu.vector_load %arg17[%get3A_186, %get3A_187] {strides = array<i32>} : memref<160x64xf32, #tpu.memory_space<vmem>>, vector<1x16xf32>,
        %get3A_189 = vector.shape_cast %get3A_188 : vector<1x16xf32> to vector<16xf32>
        %mul3A_190 = arith.mulf %exp3A_185, %get3A_189 : vector<16xf32>
        %swap3A_191 = arith.index_cast %scan3A_68 : i32 to index
        %swap3A_192 = arith.constant 32 : index
        %swap3A_193 = tpu.vector_load %arg18[%swap3A_191, %swap3A_192] {strides = array<i32>} : memref<160x64xf32, #tpu.memory_space<vmem>>, vector<1x16xf32>,
        %swap3A_194 = vector.shape_cast %swap3A_193 : vector<1x16xf32> to vector<16xf32>
        %swap3A_195 = vector.shape_cast %mul3A_190 : vector<16xf32> to vector<1x16xf32>
        tpu.vector_store %arg18[%swap3A_191, %swap3A_192], %swap3A_195 {strides = array<i32>} : memref<160x64xf32, #tpu.memory_space<vmem>>, vector<1x16xf32>,
        %eq3A_196 = arith.constant 2 : i32
        %eq3A_197 = vector.broadcast %eq3A_196 : i32 to vector<16xi32>
        %eq3A_198 = arith.cmpi eq, %iota3A, %eq3A_197 : vector<16xi32>
        %select_n3A_199 = arith.select %eq3A_198, %exp3A_185, %select_n3A_153 : vector<16xi1>, vector<16xf32>
        %get3A_200 = arith.index_cast %scan3A_68 : i32 to index
        %get3A_201 = arith.constant 48 : index
        %get3A_202 = tpu.vector_load %arg15[%get3A_200, %get3A_201] {strides = array<i32>} : memref<160x64xf32, #tpu.memory_space<vmem>>, vector<1x16xf32>,
        %get3A_203 = vector.shape_cast %get3A_202 : vector<1x16xf32> to vector<16xf32>
        %get3A_204 = arith.index_cast %scan3A_68 : i32 to index
        %get3A_205 = arith.constant 48 : index
        %get3A_206 = tpu.vector_load %arg16[%get3A_204, %get3A_205] {strides = array<i32>} : memref<160x64xf32, #tpu.memory_space<vmem>>, vector<1x16xf32>,
        %get3A_207 = vector.shape_cast %get3A_206 : vector<1x16xf32> to vector<16xf32>
        %mul3A_208 = arith.mulf %get3A_203, %get3A_207 : vector<16xf32>
        %broadcast_in_dim3A_209 = vector.shape_cast %xor3A_8 : vector<16xi32> to vector<16x1xi32>
        %gather3A_210 = vector.shape_cast %broadcast_in_dim3A_209 : vector<16x1xi32> to vector<16xi32>
        %gather3A_211 = tpu.dynamic_gather %mul3A_208[%gather3A_210] in [0] : vector<16xf32>, vector<16xi32> -> vector<16xf32>
        %add3A_212 = arith.addf %mul3A_208, %gather3A_211 : vector<16xf32>
        %broadcast_in_dim3A_213 = vector.shape_cast %xor3A_11 : vector<16xi32> to vector<16x1xi32>
        %gather3A_214 = vector.shape_cast %broadcast_in_dim3A_213 : vector<16x1xi32> to vector<16xi32>
        %gather3A_215 = tpu.dynamic_gather %add3A_212[%gather3A_214] in [0] : vector<16xf32>, vector<16xi32> -> vector<16xf32>
        %add3A_216 = arith.addf %add3A_212, %gather3A_215 : vector<16xf32>
        %broadcast_in_dim3A_217 = vector.shape_cast %xor3A_14 : vector<16xi32> to vector<16x1xi32>
        %gather3A_218 = vector.shape_cast %broadcast_in_dim3A_217 : vector<16x1xi32> to vector<16xi32>
        %gather3A_219 = tpu.dynamic_gather %add3A_216[%gather3A_218] in [0] : vector<16xf32>, vector<16xi32> -> vector<16xf32>
        %add3A_220 = arith.addf %add3A_216, %gather3A_219 : vector<16xf32>
        %broadcast_in_dim3A_221 = vector.shape_cast %xor3A_17 : vector<16xi32> to vector<16x1xi32>
        %gather3A_222 = vector.shape_cast %broadcast_in_dim3A_221 : vector<16x1xi32> to vector<16xi32>
        %gather3A_223 = tpu.dynamic_gather %add3A_220[%gather3A_222] in [0] : vector<16xf32>, vector<16xi32> -> vector<16xf32>
        %add3A_224 = arith.addf %add3A_220, %gather3A_223 : vector<16xf32>
        %max3A_225 = arith.constant -1.000000e+01 : f32
        %max3A_226 = vector.broadcast %max3A_225 : f32 to vector<16xf32>
        %max3A_227 = arith.maximumf %add3A_224, %max3A_226 : vector<16xf32>
        %min3A_228 = arith.constant 1.000000e+01 : f32
        %min3A_229 = vector.broadcast %min3A_228 : f32 to vector<16xf32>
        %min3A_230 = arith.minimumf %max3A_227, %min3A_229 : vector<16xf32>
        %exp3A_231 = math.exp %min3A_230 : vector<16xf32>
        %get3A_232 = arith.index_cast %scan3A_68 : i32 to index
        %get3A_233 = arith.constant 48 : index
        %get3A_234 = tpu.vector_load %arg17[%get3A_232, %get3A_233] {strides = array<i32>} : memref<160x64xf32, #tpu.memory_space<vmem>>, vector<1x16xf32>,
        %get3A_235 = vector.shape_cast %get3A_234 : vector<1x16xf32> to vector<16xf32>
        %mul3A_236 = arith.mulf %exp3A_231, %get3A_235 : vector<16xf32>
        %swap3A_237 = arith.index_cast %scan3A_68 : i32 to index
        %swap3A_238 = arith.constant 48 : index
        %swap3A_239 = tpu.vector_load %arg18[%swap3A_237, %swap3A_238] {strides = array<i32>} : memref<160x64xf32, #tpu.memory_space<vmem>>, vector<1x16xf32>,
        %swap3A_240 = vector.shape_cast %swap3A_239 : vector<1x16xf32> to vector<16xf32>
        %swap3A_241 = vector.shape_cast %mul3A_236 : vector<16xf32> to vector<1x16xf32>
        tpu.vector_store %arg18[%swap3A_237, %swap3A_238], %swap3A_241 {strides = array<i32>} : memref<160x64xf32, #tpu.memory_space<vmem>>, vector<1x16xf32>,
        %eq3A_242 = arith.constant 3 : i32
        %eq3A_243 = vector.broadcast %eq3A_242 : i32 to vector<16xi32>
        %eq3A_244 = arith.cmpi eq, %iota3A, %eq3A_243 : vector<16xi32>
        %select_n3A_245 = arith.select %eq3A_244, %exp3A_231, %select_n3A_199 : vector<16xi1>, vector<16xf32>
        %swap3A_246 = arith.index_cast %scan3A_68 : i32 to index
        %swap3A_247 = arith.constant 0 : index
        %swap3A_248 = tpu.vector_load %arg19[%swap3A_246, %swap3A_247] {strides = array<i32>} : memref<160x16xf32, #tpu.memory_space<vmem>>, vector<1x16xf32>,
        %swap3A_249 = vector.shape_cast %swap3A_248 : vector<1x16xf32> to vector<16xf32>
        %swap3A_250 = vector.shape_cast %select_n3A_245 : vector<16xf32> to vector<1x16xf32>
        tpu.vector_store %arg19[%swap3A_246, %swap3A_247], %swap3A_250 {strides = array<i32>} : memref<160x16xf32, #tpu.memory_space<vmem>>, vector<1x16xf32>,
      }
      %scan3A_67 = arith.constant 160 : i32
      "tpu.region"() ({
        %run_scoped3A = tpu.sem_alloc : memref<!tpu.dma_semaphore, #tpu.memory_space<semaphore_mem>>
        %dma_start3A_68 = arith.constant 0 : i32
        %dma_start3A_69 = arith.constant 0 : i32
        %dma_start3A_70 = tpu.memref_slice %arg20[%dma_start3A_68, %dma_start3A_69] : memref<10240x64xf32, #tpu.memory_space<vmem_shared>> -> memref<10240x64xf32, #tpu.memory_space<vmem_shared>>
        tpu.enqueue_indirect_dma source(%arg18 : memref<160x64xf32, #tpu.memory_space<vmem>>) target(%dma_start3A_70 : memref<10240x64xf32, #tpu.memory_space<vmem_shared>>) offsets(%arg12 : memref<160xi32, #tpu.memory_space<vmem>>) semaphore(%run_scoped3A : memref<!tpu.dma_semaphore, #tpu.memory_space<semaphore_mem>>) {add = true}
        %dma_wait3A_71 = arith.constant 0 : i32
        %dma_wait3A_72 = arith.constant 0 : i32
        %dma_wait3A_73 = tpu.memref_slice %arg20[%dma_wait3A_71, %dma_wait3A_72] : memref<10240x64xf32, #tpu.memory_space<vmem_shared>> -> memref<10240x64xf32, #tpu.memory_space<vmem_shared>>
        tpu.wait_indirect_dma semaphore(%run_scoped3A : memref<!tpu.dma_semaphore, #tpu.memory_space<semaphore_mem>>) src(%arg18 : memref<160x64xf32, #tpu.memory_space<vmem>>) dst(%dma_wait3A_73 : memref<10240x64xf32, #tpu.memory_space<vmem_shared>>)
        tpu.yield
      }) : () -> ()
      "tpu.region"() ({
        %run_scoped3A = tpu.sem_alloc : memref<!tpu.dma_semaphore, #tpu.memory_space<semaphore_mem>>
        %dma_start3A_68 = arith.constant 0 : i32
        %dma_start3A_69 = arith.constant 0 : i32
        %dma_start3A_70 = tpu.memref_slice %arg21[%dma_start3A_68, %dma_start3A_69] : memref<10240x16xf32, #tpu.memory_space<vmem_shared>> -> memref<10240x16xf32, #tpu.memory_space<vmem_shared>>
        tpu.enqueue_indirect_dma source(%arg19 : memref<160x16xf32, #tpu.memory_space<vmem>>) target(%dma_start3A_70 : memref<10240x16xf32, #tpu.memory_space<vmem_shared>>) offsets(%arg12 : memref<160xi32, #tpu.memory_space<vmem>>) semaphore(%run_scoped3A : memref<!tpu.dma_semaphore, #tpu.memory_space<semaphore_mem>>) {add = true}
        %dma_wait3A_71 = arith.constant 0 : i32
        %dma_wait3A_72 = arith.constant 0 : i32
        %dma_wait3A_73 = tpu.memref_slice %arg21[%dma_wait3A_71, %dma_wait3A_72] : memref<10240x16xf32, #tpu.memory_space<vmem_shared>> -> memref<10240x16xf32, #tpu.memory_space<vmem_shared>>
        tpu.wait_indirect_dma semaphore(%run_scoped3A : memref<!tpu.dma_semaphore, #tpu.memory_space<semaphore_mem>>) src(%arg19 : memref<160x16xf32, #tpu.memory_space<vmem>>) dst(%dma_wait3A_73 : memref<10240x16xf32, #tpu.memory_space<vmem_shared>>)
        tpu.yield
      }) : () -> ()
    }
    %scan3A_22 = arith.constant 125 : i32
    %barrier3A_23 = arith.constant 0 : index
    tpu.barrier barrier_id(%barrier3A_23)
    %mul3A_24 = arith.constant 640 : i32
    %mul3A_25 = arith.muli %arg1, %mul3A_24 : i32
    %mul3A_26 = arith.constant 10240 : i32
    %mul3A_27 = arith.muli %arg0, %mul3A_26 : i32
    %mul3A_28 = arith.constant 640 : i32
    %mul3A_29 = arith.muli %arg1, %mul3A_28 : i32
    %add3A = arith.addi %mul3A_27, %mul3A_29 : i32
    "tpu.region"() ({
      %run_scoped3A = tpu.sem_alloc : memref<!tpu.dma_semaphore, #tpu.memory_space<semaphore_mem>>
      %dma_start3A = arith.constant 0 : i32
      %dma_start3A_37 = tpu.memref_slice %arg10[%add3A, %dma_start3A] : memref<20480x64xf32, #tpu.memory_space<hbm>> -> memref<640x64xf32, #tpu.memory_space<hbm>>
      %dma_start3A_38 = arith.constant 0 : i32
      %dma_start3A_39 = tpu.memref_slice %arg20[%mul3A_25, %dma_start3A_38] : memref<10240x64xf32, #tpu.memory_space<vmem_shared>> -> memref<640x64xf32, #tpu.memory_space<vmem_shared>>
      tpu.enqueue_dma source(%dma_start3A_39 : memref<640x64xf32, #tpu.memory_space<vmem_shared>>) target(%dma_start3A_37 : memref<640x64xf32, #tpu.memory_space<hbm>>) target_semaphore(%run_scoped3A : memref<!tpu.dma_semaphore, #tpu.memory_space<semaphore_mem>>)
      %dma_wait3A = arith.constant 0 : i32
      %dma_wait3A_40 = tpu.memref_slice %arg10[%add3A, %dma_wait3A] : memref<20480x64xf32, #tpu.memory_space<hbm>> -> memref<640x64xf32, #tpu.memory_space<hbm>>
      %dma_wait3A_41 = arith.constant 0 : i32
      %dma_wait3A_42 = tpu.memref_slice %arg20[%mul3A_25, %dma_wait3A_41] : memref<10240x64xf32, #tpu.memory_space<vmem_shared>> -> memref<640x64xf32, #tpu.memory_space<vmem_shared>>
      tpu.wait_dma2 semaphore(%run_scoped3A : memref<!tpu.dma_semaphore, #tpu.memory_space<semaphore_mem>>) src(%dma_wait3A_42 : memref<640x64xf32, #tpu.memory_space<vmem_shared>>) dst(%dma_wait3A_40 : memref<640x64xf32, #tpu.memory_space<hbm>>)
      tpu.yield
    }) : () -> ()
    %mul3A_30 = arith.constant 640 : i32
    %mul3A_31 = arith.muli %arg1, %mul3A_30 : i32
    %mul3A_32 = arith.constant 10240 : i32
    %mul3A_33 = arith.muli %arg0, %mul3A_32 : i32
    %mul3A_34 = arith.constant 640 : i32
    %mul3A_35 = arith.muli %arg1, %mul3A_34 : i32
    %add3A_36 = arith.addi %mul3A_33, %mul3A_35 : i32
    "tpu.region"() ({
      %run_scoped3A = tpu.sem_alloc : memref<!tpu.dma_semaphore, #tpu.memory_space<semaphore_mem>>
      %dma_start3A = arith.constant 0 : i32
      %dma_start3A_37 = tpu.memref_slice %arg11[%add3A_36, %dma_start3A] : memref<20480x16xf32, #tpu.memory_space<hbm>> -> memref<640x16xf32, #tpu.memory_space<hbm>>
      %dma_start3A_38 = arith.constant 0 : i32
      %dma_start3A_39 = tpu.memref_slice %arg21[%mul3A_31, %dma_start3A_38] : memref<10240x16xf32, #tpu.memory_space<vmem_shared>> -> memref<640x16xf32, #tpu.memory_space<vmem_shared>>
      tpu.enqueue_dma source(%dma_start3A_39 : memref<640x16xf32, #tpu.memory_space<vmem_shared>>) target(%dma_start3A_37 : memref<640x16xf32, #tpu.memory_space<hbm>>) target_semaphore(%run_scoped3A : memref<!tpu.dma_semaphore, #tpu.memory_space<semaphore_mem>>)
      %dma_wait3A = arith.constant 0 : i32
      %dma_wait3A_40 = tpu.memref_slice %arg11[%add3A_36, %dma_wait3A] : memref<20480x16xf32, #tpu.memory_space<hbm>> -> memref<640x16xf32, #tpu.memory_space<hbm>>
      %dma_wait3A_41 = arith.constant 0 : i32
      %dma_wait3A_42 = tpu.memref_slice %arg21[%mul3A_31, %dma_wait3A_41] : memref<10240x16xf32, #tpu.memory_space<vmem_shared>> -> memref<640x16xf32, #tpu.memory_space<vmem_shared>>
      tpu.wait_dma2 semaphore(%run_scoped3A : memref<!tpu.dma_semaphore, #tpu.memory_space<semaphore_mem>>) src(%dma_wait3A_42 : memref<640x16xf32, #tpu.memory_space<vmem_shared>>) dst(%dma_wait3A_40 : memref<640x16xf32, #tpu.memory_space<hbm>>)
      tpu.yield
    }) : () -> ()
    return
  }
}

module attributes {stable_mosaic.version = 14 : i64} {
  func.func @_qkv_body(%arg0: i32, %arg1: memref<1000x128xf32, #tpu.memory_space<vmem>>, %arg2: memref<128x128xf32, #tpu.memory_space<vmem>>, %arg3: memref<128x128xf32, #tpu.memory_space<vmem>>, %arg4: memref<128x128xf32, #tpu.memory_space<vmem>>, %arg5: memref<2x1000x64xf32, #tpu.memory_space<vmem>>, %arg6: memref<2x1000x64xf32, #tpu.memory_space<vmem>>, %arg7: memref<2x1000x64xf32, #tpu.memory_space<vmem>>) attributes {dimension_semantics = [#tpu.dimension_semantics<arbitrary>], iteration_bounds = array<i64: 10>, scalar_prefetch = 0 : i64, scratch_operands = 0 : i64, tpu.core_type = #tpu.core_type<tc>, window_params = [{transform_indices = @transform_0, window_bounds = array<i64: 1000, 128>}, {pipeline_mode = #tpu.pipeline_mode<synchronous>, transform_indices = @transform_1, window_bounds = array<i64: 128, 128>}, {pipeline_mode = #tpu.pipeline_mode<synchronous>, transform_indices = @transform_2, window_bounds = array<i64: 128, 128>}, {pipeline_mode = #tpu.pipeline_mode<synchronous>, transform_indices = @transform_3, window_bounds = array<i64: 128, 128>}, {transform_indices = @transform_4, window_bounds = array<i64: 2, 1000, 64>}, {transform_indices = @transform_5, window_bounds = array<i64: 2, 1000, 64>}, {transform_indices = @transform_6, window_bounds = array<i64: 2, 1000, 64>}]} {
    %get3A = arith.constant 0 : index
    %get3A_0 = arith.constant 0 : index
    %get3A_1 = vector.load %arg1[%get3A, %get3A_0] : memref<1000x128xf32, #tpu.memory_space<vmem>>, vector<1000x128xf32>
    %get3A_2 = arith.constant 0 : index
    %get3A_3 = arith.constant 0 : index
    %get3A_4 = vector.load %arg2[%get3A_2, %get3A_3] : memref<128x128xf32, #tpu.memory_space<vmem>>, vector<128x128xf32>
    %dot_general3A = arith.constant dense<0.000000e+00> : vector<1000x128xf32>
    %dot_general3A_5 = tpu.matmul %get3A_1, %get3A_4, %dot_general3A {dimension_numbers = #tpu.dot_dimension_numbers<[1], [0], [0], [1], [0, 0, 1, 1], [], []>, transpose_lhs_hint = false} : vector<1000x128xf32>, vector<128x128xf32>, vector<1000x128xf32> -> vector<1000x128xf32>
    %slice3A = vector.extract_strided_slice %dot_general3A_5 {offsets = [0, 0], sizes = [1000, 64], strides = [1, 1]} : vector<1000x128xf32> to vector<1000x64xf32>
    %swap3A = arith.constant 0 : index
    %swap3A_6 = arith.constant 0 : index
    %swap3A_7 = arith.constant 0 : index
    %swap3A_8 = vector.load %arg5[%swap3A, %swap3A_6, %swap3A_7] : memref<2x1000x64xf32, #tpu.memory_space<vmem>>, vector<1x1000x64xf32>
    %swap3A_9 = vector.shape_cast %swap3A_8 : vector<1x1000x64xf32> to vector<1000x64xf32>
    %swap3A_10 = vector.shape_cast %slice3A : vector<1000x64xf32> to vector<1x1000x64xf32>
    tpu.vector_store %arg5[%swap3A, %swap3A_6, %swap3A_7], %swap3A_10 {strides = array<i32>} : memref<2x1000x64xf32, #tpu.memory_space<vmem>>, vector<1x1000x64xf32>,
    %slice3A_11 = vector.extract_strided_slice %dot_general3A_5 {offsets = [0, 64], sizes = [1000, 64], strides = [1, 1]} : vector<1000x128xf32> to vector<1000x64xf32>
    %swap3A_12 = arith.constant 1 : index
    %swap3A_13 = arith.constant 0 : index
    %swap3A_14 = arith.constant 0 : index
    %swap3A_15 = vector.load %arg5[%swap3A_12, %swap3A_13, %swap3A_14] : memref<2x1000x64xf32, #tpu.memory_space<vmem>>, vector<1x1000x64xf32>
    %swap3A_16 = vector.shape_cast %swap3A_15 : vector<1x1000x64xf32> to vector<1000x64xf32>
    %swap3A_17 = vector.shape_cast %slice3A_11 : vector<1000x64xf32> to vector<1x1000x64xf32>
    tpu.vector_store %arg5[%swap3A_12, %swap3A_13, %swap3A_14], %swap3A_17 {strides = array<i32>} : memref<2x1000x64xf32, #tpu.memory_space<vmem>>, vector<1x1000x64xf32>,
    %get3A_18 = arith.constant 0 : index
    %get3A_19 = arith.constant 0 : index
    %get3A_20 = vector.load %arg3[%get3A_18, %get3A_19] : memref<128x128xf32, #tpu.memory_space<vmem>>, vector<128x128xf32>
    %dot_general3A_21 = arith.constant dense<0.000000e+00> : vector<1000x128xf32>
    %dot_general3A_22 = tpu.matmul %get3A_1, %get3A_20, %dot_general3A_21 {dimension_numbers = #tpu.dot_dimension_numbers<[1], [0], [0], [1], [0, 0, 1, 1], [], []>, transpose_lhs_hint = false} : vector<1000x128xf32>, vector<128x128xf32>, vector<1000x128xf32> -> vector<1000x128xf32>
    %slice3A_23 = vector.extract_strided_slice %dot_general3A_22 {offsets = [0, 0], sizes = [1000, 64], strides = [1, 1]} : vector<1000x128xf32> to vector<1000x64xf32>
    %swap3A_24 = arith.constant 0 : index
    %swap3A_25 = arith.constant 0 : index
    %swap3A_26 = arith.constant 0 : index
    %swap3A_27 = vector.load %arg6[%swap3A_24, %swap3A_25, %swap3A_26] : memref<2x1000x64xf32, #tpu.memory_space<vmem>>, vector<1x1000x64xf32>
    %swap3A_28 = vector.shape_cast %swap3A_27 : vector<1x1000x64xf32> to vector<1000x64xf32>
    %swap3A_29 = vector.shape_cast %slice3A_23 : vector<1000x64xf32> to vector<1x1000x64xf32>
    tpu.vector_store %arg6[%swap3A_24, %swap3A_25, %swap3A_26], %swap3A_29 {strides = array<i32>} : memref<2x1000x64xf32, #tpu.memory_space<vmem>>, vector<1x1000x64xf32>,
    %slice3A_30 = vector.extract_strided_slice %dot_general3A_22 {offsets = [0, 64], sizes = [1000, 64], strides = [1, 1]} : vector<1000x128xf32> to vector<1000x64xf32>
    %swap3A_31 = arith.constant 1 : index
    %swap3A_32 = arith.constant 0 : index
    %swap3A_33 = arith.constant 0 : index
    %swap3A_34 = vector.load %arg6[%swap3A_31, %swap3A_32, %swap3A_33] : memref<2x1000x64xf32, #tpu.memory_space<vmem>>, vector<1x1000x64xf32>
    %swap3A_35 = vector.shape_cast %swap3A_34 : vector<1x1000x64xf32> to vector<1000x64xf32>
    %swap3A_36 = vector.shape_cast %slice3A_30 : vector<1000x64xf32> to vector<1x1000x64xf32>
    tpu.vector_store %arg6[%swap3A_31, %swap3A_32, %swap3A_33], %swap3A_36 {strides = array<i32>} : memref<2x1000x64xf32, #tpu.memory_space<vmem>>, vector<1x1000x64xf32>,
    %get3A_37 = arith.constant 0 : index
    %get3A_38 = arith.constant 0 : index
    %get3A_39 = vector.load %arg4[%get3A_37, %get3A_38] : memref<128x128xf32, #tpu.memory_space<vmem>>, vector<128x128xf32>
    %dot_general3A_40 = arith.constant dense<0.000000e+00> : vector<1000x128xf32>
    %dot_general3A_41 = tpu.matmul %get3A_1, %get3A_39, %dot_general3A_40 {dimension_numbers = #tpu.dot_dimension_numbers<[1], [0], [0], [1], [0, 0, 1, 1], [], []>, transpose_lhs_hint = false} : vector<1000x128xf32>, vector<128x128xf32>, vector<1000x128xf32> -> vector<1000x128xf32>
    %slice3A_42 = vector.extract_strided_slice %dot_general3A_41 {offsets = [0, 0], sizes = [1000, 64], strides = [1, 1]} : vector<1000x128xf32> to vector<1000x64xf32>
    %swap3A_43 = arith.constant 0 : index
    %swap3A_44 = arith.constant 0 : index
    %swap3A_45 = arith.constant 0 : index
    %swap3A_46 = vector.load %arg7[%swap3A_43, %swap3A_44, %swap3A_45] : memref<2x1000x64xf32, #tpu.memory_space<vmem>>, vector<1x1000x64xf32>
    %swap3A_47 = vector.shape_cast %swap3A_46 : vector<1x1000x64xf32> to vector<1000x64xf32>
    %swap3A_48 = vector.shape_cast %slice3A_42 : vector<1000x64xf32> to vector<1x1000x64xf32>
    tpu.vector_store %arg7[%swap3A_43, %swap3A_44, %swap3A_45], %swap3A_48 {strides = array<i32>} : memref<2x1000x64xf32, #tpu.memory_space<vmem>>, vector<1x1000x64xf32>,
    %slice3A_49 = vector.extract_strided_slice %dot_general3A_41 {offsets = [0, 64], sizes = [1000, 64], strides = [1, 1]} : vector<1000x128xf32> to vector<1000x64xf32>
    %swap3A_50 = arith.constant 1 : index
    %swap3A_51 = arith.constant 0 : index
    %swap3A_52 = arith.constant 0 : index
    %swap3A_53 = vector.load %arg7[%swap3A_50, %swap3A_51, %swap3A_52] : memref<2x1000x64xf32, #tpu.memory_space<vmem>>, vector<1x1000x64xf32>
    %swap3A_54 = vector.shape_cast %swap3A_53 : vector<1x1000x64xf32> to vector<1000x64xf32>
    %swap3A_55 = vector.shape_cast %slice3A_49 : vector<1000x64xf32> to vector<1x1000x64xf32>
    tpu.vector_store %arg7[%swap3A_50, %swap3A_51, %swap3A_52], %swap3A_55 {strides = array<i32>} : memref<2x1000x64xf32, #tpu.memory_space<vmem>>, vector<1x1000x64xf32>,
    return
  }
  func.func @transform_0(%arg0: i32) -> (i32, i32) {
    %c0_i32 = arith.constant 0 : i32
    %c0_i32_0 = arith.constant 0 : i32
    return %arg0, %c0_i32 : i32, i32
  }
  func.func @transform_1(%arg0: i32) -> (i32, i32) {
    %c0_i32 = arith.constant 0 : i32
    %c0_i32_0 = arith.constant 0 : i32
    %c0_i32_1 = arith.constant 0 : i32
    return %c0_i32, %c0_i32_0 : i32, i32
  }
  func.func @transform_2(%arg0: i32) -> (i32, i32) {
    %c0_i32 = arith.constant 0 : i32
    %c0_i32_0 = arith.constant 0 : i32
    %c0_i32_1 = arith.constant 0 : i32
    return %c0_i32, %c0_i32_0 : i32, i32
  }
  func.func @transform_3(%arg0: i32) -> (i32, i32) {
    %c0_i32 = arith.constant 0 : i32
    %c0_i32_0 = arith.constant 0 : i32
    %c0_i32_1 = arith.constant 0 : i32
    return %c0_i32, %c0_i32_0 : i32, i32
  }
  func.func @transform_4(%arg0: i32) -> (i32, i32, i32) {
    %c0_i32 = arith.constant 0 : i32
    %c0_i32_0 = arith.constant 0 : i32
    %c0_i32_1 = arith.constant 0 : i32
    return %c0_i32, %arg0, %c0_i32_0 : i32, i32, i32
  }
  func.func @transform_5(%arg0: i32) -> (i32, i32, i32) {
    %c0_i32 = arith.constant 0 : i32
    %c0_i32_0 = arith.constant 0 : i32
    %c0_i32_1 = arith.constant 0 : i32
    return %c0_i32, %arg0, %c0_i32_0 : i32, i32, i32
  }
  func.func @transform_6(%arg0: i32) -> (i32, i32, i32) {
    %c0_i32 = arith.constant 0 : i32
    %c0_i32_0 = arith.constant 0 : i32
    %c0_i32_1 = arith.constant 0 : i32
    return %c0_i32, %arg0, %c0_i32_0 : i32, i32, i32
  }
}

module attributes {stable_mosaic.version = 14 : i64} {
  func.func @_final_body(%arg0: i32, %arg1: memref<2x1000x64xf32, #tpu.memory_space<vmem>>, %arg2: memref<2x1000x16xf32, #tpu.memory_space<vmem>>, %arg3: memref<1000x128xf32, #tpu.memory_space<vmem>>, %arg4: memref<1x128xf32, #tpu.memory_space<vmem>>, %arg5: memref<1x128xf32, #tpu.memory_space<vmem>>, %arg6: memref<1000x128xf32, #tpu.memory_space<vmem>>) attributes {dimension_semantics = [#tpu.dimension_semantics<arbitrary>], iteration_bounds = array<i64: 10>, scalar_prefetch = 0 : i64, scratch_operands = 0 : i64, tpu.core_type = #tpu.core_type<tc>, window_params = [{transform_indices = @transform_0, window_bounds = array<i64: 2, 1000, 64>}, {transform_indices = @transform_1, window_bounds = array<i64: 2, 1000, 16>}, {transform_indices = @transform_2, window_bounds = array<i64: 1000, 128>}, {pipeline_mode = #tpu.pipeline_mode<synchronous>, transform_indices = @transform_3, window_bounds = array<i64: 1, 128>}, {pipeline_mode = #tpu.pipeline_mode<synchronous>, transform_indices = @transform_4, window_bounds = array<i64: 1, 128>}, {transform_indices = @transform_5, window_bounds = array<i64: 1000, 128>}]} {
    %get3A = arith.constant 0 : index
    %get3A_0 = arith.constant 0 : index
    %get3A_1 = arith.constant 0 : index
    %get3A_2 = vector.load %arg1[%get3A, %get3A_0, %get3A_1] : memref<2x1000x64xf32, #tpu.memory_space<vmem>>, vector<1x1000x64xf32>
    %get3A_3 = vector.shape_cast %get3A_2 : vector<1x1000x64xf32> to vector<1000x64xf32>
    %get3A_4 = arith.constant 1 : index
    %get3A_5 = arith.constant 0 : index
    %get3A_6 = arith.constant 0 : index
    %get3A_7 = vector.load %arg1[%get3A_4, %get3A_5, %get3A_6] : memref<2x1000x64xf32, #tpu.memory_space<vmem>>, vector<1x1000x64xf32>
    %get3A_8 = vector.shape_cast %get3A_7 : vector<1x1000x64xf32> to vector<1000x64xf32>
    %concatenate3A = tpu.concatenate %get3A_3, %get3A_8 in 1 : vector<1000x64xf32>, vector<1000x64xf32> -> vector<1000x128xf32>
    %get3A_9 = arith.constant 0 : index
    %get3A_10 = arith.constant 0 : index
    %get3A_11 = arith.constant 0 : index
    %get3A_12 = vector.load %arg2[%get3A_9, %get3A_10, %get3A_11] : memref<2x1000x16xf32, #tpu.memory_space<vmem>>, vector<1x1000x4xf32>
    %get3A_13 = vector.shape_cast %get3A_12 : vector<1x1000x4xf32> to vector<1000x4xf32>
    %get3A_14 = arith.constant 1 : index
    %get3A_15 = arith.constant 0 : index
    %get3A_16 = arith.constant 0 : index
    %get3A_17 = vector.load %arg2[%get3A_14, %get3A_15, %get3A_16] : memref<2x1000x16xf32, #tpu.memory_space<vmem>>, vector<1x1000x4xf32>
    %get3A_18 = vector.shape_cast %get3A_17 : vector<1x1000x4xf32> to vector<1000x4xf32>
    %concatenate3A_19 = tpu.concatenate %get3A_13, %get3A_18 in 1 : vector<1000x4xf32>, vector<1000x4xf32> -> vector<1000x8xf32>
    %iota3A = tpu.iota {dimensions = array<i32: 0>} : vector<8x128xi32>
    %iota3A_20 = tpu.iota {dimensions = array<i32: 1>} : vector<8x128xi32>
    %jit3A = arith.constant 16 : i32
    %div3A = vector.broadcast %jit3A : i32 to vector<8x128xi32>
    %div3A_21 = arith.divsi %iota3A_20, %div3A : vector<8x128xi32>
    %sign3A = arith.constant 0 : i32
    %sign3A_22 = vector.broadcast %sign3A : i32 to vector<8x128xi32>
    %sign3A_23 = arith.cmpi sgt, %iota3A_20, %sign3A_22 : vector<8x128xi32>
    %sign3A_24 = arith.extui %sign3A_23 : vector<8x128xi1> to vector<8x128xi32>
    %sign3A_25 = arith.constant 0 : i32
    %sign3A_26 = vector.broadcast %sign3A_25 : i32 to vector<8x128xi32>
    %sign3A_27 = arith.cmpi slt, %iota3A_20, %sign3A_26 : vector<8x128xi32>
    %sign3A_28 = arith.extui %sign3A_27 : vector<8x128xi1> to vector<8x128xi32>
    %sign3A_29 = arith.subi %sign3A_24, %sign3A_28 : vector<8x128xi32>
    %sign3A_30 = arith.constant 0 : i32
    %sign3A_31 = arith.cmpi sgt, %jit3A, %sign3A_30 : i32
    %sign3A_32 = arith.extui %sign3A_31 : i1 to i32
    %sign3A_33 = arith.constant 0 : i32
    %sign3A_34 = arith.cmpi slt, %jit3A, %sign3A_33 : i32
    %sign3A_35 = arith.extui %sign3A_34 : i1 to i32
    %sign3A_36 = arith.subi %sign3A_32, %sign3A_35 : i32
    %ne3A = vector.broadcast %sign3A_36 : i32 to vector<8x128xi32>
    %ne3A_37 = arith.cmpi ne, %sign3A_29, %ne3A : vector<8x128xi32>
    %rem3A = vector.broadcast %jit3A : i32 to vector<8x128xi32>
    %rem3A_38 = arith.remsi %iota3A_20, %rem3A : vector<8x128xi32>
    %ne3A_39 = arith.constant 0 : i32
    %ne3A_40 = vector.broadcast %ne3A_39 : i32 to vector<8x128xi32>
    %ne3A_41 = arith.cmpi ne, %rem3A_38, %ne3A_40 : vector<8x128xi32>
    %and3A = arith.andi %ne3A_37, %ne3A_41 : vector<8x128xi1>
    %sub3A = arith.constant 1 : i32
    %sub3A_42 = vector.broadcast %sub3A : i32 to vector<8x128xi32>
    %sub3A_43 = arith.subi %div3A_21, %sub3A_42 : vector<8x128xi32>
    %select_n3A = arith.select %and3A, %sub3A_43, %div3A_21 : vector<8x128xi1>, vector<8x128xi32>
    %eq3A = arith.cmpi eq, %select_n3A, %iota3A : vector<8x128xi32>
    %jit3A_44 = arith.constant 1.000000e+00 : f32
    %jit3A_45 = arith.constant 0.000000e+00 : f32
    %broadcast_in_dim3A = vector.broadcast %jit3A_44 : f32 to vector<8x128xf32>
    %broadcast_in_dim3A_46 = vector.broadcast %jit3A_45 : f32 to vector<8x128xf32>
    %select_n3A_47 = arith.select %eq3A, %broadcast_in_dim3A, %broadcast_in_dim3A_46 : vector<8x128xi1>, vector<8x128xf32>
    %dot_general3A = arith.constant dense<0.000000e+00> : vector<1000x128xf32>
    %dot_general3A_48 = tpu.matmul %concatenate3A_19, %select_n3A_47, %dot_general3A {dimension_numbers = #tpu.dot_dimension_numbers<[1], [0], [0], [1], [0, 0, 1, 1], [], []>, transpose_lhs_hint = false} : vector<1000x8xf32>, vector<8x128xf32>, vector<1000x128xf32> -> vector<1000x128xf32>
    %add3A = arith.constant 9.99999993E-9 : f32
    %add3A_49 = vector.broadcast %add3A : f32 to vector<1000x128xf32>
    %add3A_50 = arith.addf %dot_general3A_48, %add3A_49 : vector<1000x128xf32>
    %div3A_51 = arith.divf %concatenate3A, %add3A_50 : vector<1000x128xf32>
    %get3A_52 = arith.constant 0 : index
    %get3A_53 = arith.constant 0 : index
    %get3A_54 = vector.load %arg3[%get3A_52, %get3A_53] : memref<1000x128xf32, #tpu.memory_space<vmem>>, vector<1000x128xf32>
    %add3A_55 = arith.addf %div3A_51, %get3A_54 : vector<1000x128xf32>
    %reduce_sum3A = arith.constant dense<0.000000e+00> : vector<1000xf32>
    %reduce_sum3A_56 = vector.multi_reduction <add>, %add3A_55, %reduce_sum3A [1] : vector<1000x128xf32> to vector<1000xf32>
    %broadcast_in_dim3A_57 = vector.shape_cast %reduce_sum3A_56 : vector<1000xf32> to vector<1000x1xf32>
    %div3A_58 = arith.constant 1.280000e+02 : f32
    %div3A_59 = vector.broadcast %div3A_58 : f32 to vector<1000x1xf32>
    %div3A_60 = arith.divf %broadcast_in_dim3A_57, %div3A_59 : vector<1000x1xf32>
    %sub3A_61 = vector.broadcast %div3A_60 : vector<1000x1xf32> to vector<1000x128xf32>
    %sub3A_62 = arith.subf %add3A_55, %sub3A_61 : vector<1000x128xf32>
    %integer_pow3A = arith.mulf %sub3A_62, %sub3A_62 : vector<1000x128xf32>
    %reduce_sum3A_63 = arith.constant dense<0.000000e+00> : vector<1000xf32>
    %reduce_sum3A_64 = vector.multi_reduction <add>, %integer_pow3A, %reduce_sum3A_63 [1] : vector<1000x128xf32> to vector<1000xf32>
    %broadcast_in_dim3A_65 = vector.shape_cast %reduce_sum3A_64 : vector<1000xf32> to vector<1000x1xf32>
    %div3A_66 = arith.constant 1.280000e+02 : f32
    %div3A_67 = vector.broadcast %div3A_66 : f32 to vector<1000x1xf32>
    %div3A_68 = arith.divf %broadcast_in_dim3A_65, %div3A_67 : vector<1000x1xf32>
    %sub3A_69 = vector.broadcast %div3A_60 : vector<1000x1xf32> to vector<1000x128xf32>
    %sub3A_70 = arith.subf %add3A_55, %sub3A_69 : vector<1000x128xf32>
    %add3A_71 = arith.constant 9.99999997E-7 : f32
    %add3A_72 = vector.broadcast %add3A_71 : f32 to vector<1000x1xf32>
    %add3A_73 = arith.addf %div3A_68, %add3A_72 : vector<1000x1xf32>
    %sqrt3A = math.sqrt %add3A_73 : vector<1000x1xf32>
    %div3A_74 = vector.broadcast %sqrt3A : vector<1000x1xf32> to vector<1000x128xf32>
    %div3A_75 = arith.divf %sub3A_70, %div3A_74 : vector<1000x128xf32>
    %get3A_76 = arith.constant 0 : index
    %get3A_77 = arith.constant 0 : index
    %get3A_78 = vector.load %arg4[%get3A_76, %get3A_77] : memref<1x128xf32, #tpu.memory_space<vmem>>, vector<1x128xf32>
    %mul3A = vector.broadcast %get3A_78 : vector<1x128xf32> to vector<1000x128xf32>
    %mul3A_79 = arith.mulf %div3A_75, %mul3A : vector<1000x128xf32>
    %get3A_80 = arith.constant 0 : index
    %get3A_81 = arith.constant 0 : index
    %get3A_82 = vector.load %arg5[%get3A_80, %get3A_81] : memref<1x128xf32, #tpu.memory_space<vmem>>, vector<1x128xf32>
    %add3A_83 = vector.broadcast %get3A_82 : vector<1x128xf32> to vector<1000x128xf32>
    %add3A_84 = arith.addf %mul3A_79, %add3A_83 : vector<1000x128xf32>
    %swap3A = arith.constant 0 : index
    %swap3A_85 = arith.constant 0 : index
    %swap3A_86 = vector.load %arg6[%swap3A, %swap3A_85] : memref<1000x128xf32, #tpu.memory_space<vmem>>, vector<1000x128xf32>
    tpu.vector_store %arg6[%swap3A, %swap3A_85], %add3A_84 {strides = array<i32>} : memref<1000x128xf32, #tpu.memory_space<vmem>>, vector<1000x128xf32>,
    return
  }
  func.func @transform_0(%arg0: i32) -> (i32, i32, i32) {
    %c0_i32 = arith.constant 0 : i32
    %c0_i32_0 = arith.constant 0 : i32
    %c0_i32_1 = arith.constant 0 : i32
    return %c0_i32, %arg0, %c0_i32_0 : i32, i32, i32
  }
  func.func @transform_1(%arg0: i32) -> (i32, i32, i32) {
    %c0_i32 = arith.constant 0 : i32
    %c0_i32_0 = arith.constant 0 : i32
    %c0_i32_1 = arith.constant 0 : i32
    return %c0_i32, %arg0, %c0_i32_0 : i32, i32, i32
  }
  func.func @transform_2(%arg0: i32) -> (i32, i32) {
    %c0_i32 = arith.constant 0 : i32
    %c0_i32_0 = arith.constant 0 : i32
    return %arg0, %c0_i32 : i32, i32
  }
  func.func @transform_3(%arg0: i32) -> (i32, i32) {
    %c0_i32 = arith.constant 0 : i32
    %c0_i32_0 = arith.constant 0 : i32
    %c0_i32_1 = arith.constant 0 : i32
    return %c0_i32, %c0_i32_0 : i32, i32
  }
  func.func @transform_4(%arg0: i32) -> (i32, i32) {
    %c0_i32 = arith.constant 0 : i32
    %c0_i32_0 = arith.constant 0 : i32
    %c0_i32_1 = arith.constant 0 : i32
    return %c0_i32, %c0_i32_0 : i32, i32
  }
  func.func @transform_5(%arg0: i32) -> (i32, i32) {
    %c0_i32 = arith.constant 0 : i32
    %c0_i32_0 = arith.constant 0 : i32
    return %arg0, %c0_i32 : i32, i32
  }
}

</mosaic_0001>

<sc_bundles>
// kernel: kernel.5.cloned.1.call-start
scs
__scs_entry_jumppad:
0x0: {  	(pc) =	sbr.rel $0x88, $3  }
0x1: {  	(tag) =	ssettag $0x0;
	lr =	simm.s32 $0x1  }
0x2: {  	[smem:$0x3F9A] =	sst lr;
	_ =	strace $0xD0000000  }
0x3: {  	_ = 	snop  }
0x4: {  	_ = 	snop  }
0x5: {  	_ = 	snop  }
0x6: {  	_ = 	snop  }
0x7: {  	_ = 	snop  }
__scs_overlays_trampoline_lowered:
0x8: {  	[smem:$0x3FA9] =	sst s0  }
0x9: {  	[smem:$0x3FAA] =	sst s1  }
0xa: {  	[smem:$0x3FAB] =	sst s2  }
0xb: {  	[smem:$0x3FAC] =	sst s3  }
0xc: {  	[smem:$0x3FAD] =	sst s4  }
0xd: {  	[smem:$0x3FAE] =	sst s5  }
0xe: {  	[smem:$0x3FAF] =	sst s6  }
0xf: {  	[smem:$0x3FB0] =	sst s7  }
0x10: {  	[smem:$0x3FB1] =	sst s8  }
0x11: {  	[smem:$0x3FB2] =	sst s9;
	s0 =	simm.s32 @!p0 $0x0  }
0x12: {  	s1 =	sld [smem:$0x3F98];
	s0 =	simm.s32 @p0 $0x1  }
0x13: {  	[smem:$0x3FB3] =	sst s0;
	s0 =	simm.s32 @!p1 $0x0  }
0x14: {  	s2 =	sld [smem:$0x3F97];
	s0 =	simm.s32 @p1 $0x1  }
0x15: {  	[smem:$0x3FB4] =	sst s0;
	s0 =	simm.s32 @!p2 $0x0  }
0x16: {  	s3 =	sld [smem:$0x3FDB];
	s0 =	simm.s32 @p2 $0x1  }
0x17: {  	s4 =	simm.s32 $0x1BF5;
	[smem:$0x3FB6] =	sst s0  }
0x18: {  	s0 =	sld [smem:$0x3F99];
	_ =	swait.ge [sflag:s4], $0x0  }
0x19: {  	s7 =	sld [smem:$0x3F9A]  }
0x1a: {  	s8 =	sadd.s32 $0xFFFFE003, lr  }
0x1b: {  	s9 =	sadd.s32 $0xFFFFFEF7, lr;
	s5 =	simm.s32 $0xFFFFFFFF;
	p2 =	slt.u32 s8, $0xFFFFF086  }
0x1c: {  	p1 =	slt.u32 s9, $0xF7A;
	s5 =	simm.s32 @!p2 $0x0  }
0x1d: {  	s5 =	simm.s32 @p1 $0x1;
	p0 =	seq.s32 s7, s2  }
0x1e: {  	s7 =	smul.u32 @!p0 $0xF7A, s2;
	p2 =	seq.s32 @!p0 s5, $0x0  }
0x1f: {  	s9 =	smul.u32 $0xF7A, s1;
	s8 =	simm.s32 @!p0 $0x1BF5;
	p2 =	por !p2, p0  }
0x20: {  	[sflag:s8] =	ssyncset.s32 @!p0 $0xFFFFF086;
	s6 =	sadd.s32 @!p0 s3, s7;
	s7 =	simm.s32 @!p0 $0x108  }
0x21: {  	s3 =	sadd.s32 s3, s9;
	s6 =	sadd.s32 @!p0 $0x88, s6;
	s7 =	simm.s32 @p2 $0x1082  }
0x22: {  	[simem:s7], [sflag:s8] =	dma.local @!p0 [hbm:s6], $0xF7A  }
0x23: {  	s9 =	sor.u32 $0xD0000000, s2;
	s6 =	simm.s32 $0x108;
	_ =	swait.ge @!p0 [sflag:s8], $0x0  }
0x24: {  	s3 =	sadd.s32 $0x88, s3;
	s6 =	simm.s32 @!p1 $0x1082;
	[sflag:s4] =	ssyncset.s32 $0xFFFFF086  }
0x25: {  	[simem:s6], [sflag:s4] =	dma.local [hbm:s3], $0xF7A  }
0x26: {  	[smem:$0x3F9A] =	sst s1;
	(tag) =	ssettag s2;
	_ =	strace s9  }
0x27: {  	s1 =	sld [smem:$0x3FAA]  }
0x28: {  	s2 =	sld [smem:$0x3FAB]  }
0x29: {  	s4 =	sld [smem:$0x3FAD]  }
0x2a: {  	p0 =	seq.s32 s5, $0x0;
	s5 =	sld [smem:$0x3FAE]  }
0x2b: {  	s6 =	sld [smem:$0x3FAF]  }
0x2c: {  	s7 =	sld [smem:$0x3FB0]  }
0x2d: {  	s3 =	simm.s32 $0x108;
	s8 =	sld [smem:$0x3FB1]  }
0x2e: {  	s3 =	simm.s32 @!p0 $0x1082;
	s9 =	sld [smem:$0x3FB2]  }
0x2f: {  	lr =	sadd.s32 s0, s3;
	s0 =	sld [smem:$0x3FA9]  }
0x30: {  	s3 =	sld [smem:$0x3FAC]  }
0x31: {  	[smem:$0x3FB5] =	sst s10  }
0x32: {  	s10 =	sld [smem:$0x3FB3];
	_ =	sdelay $0x3  }
0x33: {  	p0 =	seq.s32 s10, $0x1;
	s10 =	sld [smem:$0x3FB5];
	_ =	sdelay $0x3  }
0x34: {  	[smem:$0x3FB5] =	sst s10  }
0x35: {  	s10 =	sld [smem:$0x3FB4];
	_ =	sdelay $0x3  }
0x36: {  	p1 =	seq.s32 s10, $0x1;
	s10 =	sld [smem:$0x3FB5];
	_ =	sdelay $0x3  }
0x37: {  	[smem:$0x3FB5] =	sst s10  }
0x38: {  	s10 =	sld [smem:$0x3FB6]  }
0x39: {  	_ = 	snop;
	(pc) =	sbr.ind lr, $3  }
0x3a: {  	_ = 	snop  }
0x3b: {  	_ = 	snop  }
0x3c: {  	p2 =	seq.s32 s10, $0x1;
	s10 =	sld [smem:$0x3FB5]  }
0x3d: {  	_ =	shalt  }
0x3e: {  	_ =	shalt  }
0x3f: {  	_ =	shalt  }
0x40: {  	_ =	shalt  }
0x41: {  	_ =	shalt  }
0x42: {  	_ =	shalt  }
0x43: {  	_ =	shalt  }
0x44: {  	_ =	shalt  }
0x45: {  	_ =	shalt  }
0x46: {  	_ =	shalt  }
0x47: {  	_ =	shalt  }
0x48: {  	_ =	shalt  }
0x49: {  	_ =	shalt  }
0x4a: {  	_ =	shalt  }
0x4b: {  	_ =	shalt  }
0x4c: {  	_ =	shalt  }
0x4d: {  	_ =	shalt  }
0x4e: {  	_ =	shalt  }
0x4f: {  	_ =	shalt  }
0x50: {  	_ =	shalt  }
0x51: {  	_ =	shalt  }
0x52: {  	_ =	shalt  }
0x53: {  	_ =	shalt  }
0x54: {  	_ =	shalt  }
0x55: {  	_ =	shalt  }
0x56: {  	_ =	shalt  }
0x57: {  	_ =	shalt  }
0x58: {  	_ =	shalt  }
0x59: {  	_ =	shalt  }
0x5a: {  	_ =	shalt  }
0x5b: {  	_ =	shalt  }
0x5c: {  	_ =	shalt  }
0x5d: {  	_ =	shalt  }
0x5e: {  	_ =	shalt  }
0x5f: {  	_ =	shalt  }
0x60: {  	_ =	shalt  }
0x61: {  	_ =	shalt  }
0x62: {  	_ =	shalt  }
0x63: {  	_ =	shalt  }
0x64: {  	_ =	shalt  }
0x65: {  	_ =	shalt  }
0x66: {  	_ =	shalt  }
0x67: {  	_ =	shalt  }
0x68: {  	_ =	shalt  }
0x69: {  	_ =	shalt  }
0x6a: {  	_ =	shalt  }
0x6b: {  	_ =	shalt  }
0x6c: {  	_ =	shalt  }
0x6d: {  	_ =	shalt  }
0x6e: {  	_ =	shalt  }
0x6f: {  	_ =	shalt  }
0x70: {  	_ =	shalt  }
0x71: {  	_ =	shalt  }
0x72: {  	_ =	shalt  }
0x73: {  	_ =	shalt  }
0x74: {  	_ =	shalt  }
0x75: {  	_ =	shalt  }
0x76: {  	_ =	shalt  }
0x77: {  	_ =	shalt  }
0x78: {  	_ =	shalt  }
0x79: {  	_ =	shalt  }
0x7a: {  	_ =	shalt  }
0x7b: {  	_ =	shalt  }
0x7c: {  	_ =	shalt  }
0x7d: {  	_ =	shalt  }
0x7e: {  	_ =	shalt  }
0x7f: {  	_ =	shalt  }
0x80: {  	_ =	shalt  }
0x81: {  	_ =	shalt  }
0x82: {  	_ =	shalt  }
0x83: {  	_ =	shalt  }
0x84: {  	_ =	shalt  }
0x85: {  	_ =	shalt  }
0x86: {  	_ =	shalt  }
0x87: {  	_ =	shalt  }
.Lfunc_end0:
.L_simem_size_0:
called_computation_lowered:
.L_overlay_start_0:
0x88: {  	s2 =	sld [smem:$0x3FD9]  }
0x89: {  	s3 =	sld [smem:$0x3FFE];
	_ =	sdelay $0x1  }
0x8a: {  	s1 =	srdreg.scid  }
0x8b: {  	s0 =	sand.u32 $0x1, s1  }
0x8c: {  	s17 =	sshll.u32 s0, $0xA;
	s2 =	sadd.s32 s3, s2  }
0x8d: {  	s2 =	sadd.s32 s2, s17  }
0x8e: {  	[smem:$0x3FC1] =	sst s2  }
0x8f: {  	_ = 	snop  }
0x90: {  	s2 =	sld [smem:$0x3FD0];
	(tm) =	ssettm $0x1  }
0x91: {  	s18 =	sld [smem:$0x3FFB];
	_ =	sdelay $0x3  }
0x92: {  	_ =	strace s18  }
0x93: {  	s3 =	sld [smem:$0x3FFC];
	_ =	sdelay $0x3  }
0x94: {  	_ =	strace s3  }
0x95: {  	s3 =	sld [smem:$0x3FFD];
	_ =	sdelay $0x3  }
0x96: {  	_ =	strace s3  }
0x97: {  	_ =	strace $0x8FFFFFFF  }
0x98: {  	s19 =	sld [smem:$0x3FDB];
	_ =	sdelay $0x1  }
0x99: {  	s4 =	simm.s32 $_scs_section_size  }
0x9a: {  	s5 =	simm.s32 $_size__tile_overlayer_lowered;
	s6 =	simm.s32 $_tile_overlayer_lowered  }
0x9b: {  	s22 =	simm.s32 $0x1BFF;
	s21 =	sshll.u32 s6, $0x1;
	s3 =	sadd.s32 s4, s19  }
0x9c: {  	s7 =	simm.s32 $0x0;
	s20 =	sshll.u32 s5, $0x1;
	s5 =	sadd.s32 s21, s3  }
0x9d: {  	[timem:s7], [sflag:s22] =	dma.local [hbm:s5], s20  }
0x9e: {  	_ =	swait.ge [sflag:s22], s20  }
0x9f: {  	s4 =	ssub.s32 $0x0, s20;
	[sflag:s22] =	ssyncset.done $0x0  }
0xa0: {  	[sflag:s22] =	ssyncadd.s32 s4;
	_ =	sdelay $0x1  }
0xa1: {  	s23 =	simm.s32 $0x1B8B  }
0xa2: {  	_ =	swait.ge [sflag:s23], $0x1  }
0xa3: {  	[sflag:s23] =	ssyncset.done $0x0  }
0xa4: {  	s25 =	simm.s32 $0x1B8E;
	s24 =	sld [smem:$0x3FFE];
	[sflag:s23] =	ssyncadd.s32 $0xFFFFFFFF  }
0xa5: {  	s26 =	simm.s32 $execute0_lowered;
	[smem:$0x3FD2] =	sst s25  }
0xa6: {  	s5 =	sshll.u32 s26, $0x1;
	_ =	strace $0x80000046;
	[dreg:$0x1] =	wrdreg $0xFFFFFFFF  }
0xa7: {  	s28 =	simm.s32 $_size_execute0_lowered;
	s3 =	sadd.s32 s3, s5;
	[dreg:$0x0] =	wrdreg $0x0  }
0xa8: {  	s5 =	sshll.u32 s28, $0x1;
	[dreg:$0x2] =	wrdreg s3  }
0xa9: {  	[dreg:$0x3] =	wrdreg s5  }
0xaa: {  	[dreg:$0x4] =	wrdreg $0xC0  }
0xab: {  	_ =	task [dreg:s7], $0x5FFFF  }
0xac: {  	[dreg:$0x1] =	wrdreg $0xFFFFFFFF  }
0xad: {  	[dreg:$0x0] =	wrdreg $0x60  }
0xae: {  	[dreg:$0x2] =	wrdreg s2  }
0xaf: {  	[dreg:$0x3] =	wrdreg s24  }
0xb0: {  	[dreg:$0x4] =	wrdreg $0xABE00  }
0xb1: {  	[dreg:$0x5] =	wrdreg $0x14BE00  }
0xb2: {  	[dreg:$0x6] =	wrdreg $0x9  }
0xb3: {  	_ =	task.clear_ibuf [dreg:s7], $0x7FFFF;
	_ =	strace $0x90000046  }
0xb4: {  	s29 =	simm.s32 $0x9;
	_ =	strace $0x80000048  }
0xb5: {  	_ =	swait.ge [sflag:s29], $0x1  }
0xb6: {  	[sflag:s29] =	ssyncadd.s32 $0xFFFFFFFF  }
0xb7: {  	_ =	strace $0x90000048  }
0xb8: {  	_ =	sfence  }
0xb9: {  	s30 =	sld [smem:$0x0];
	_ =	sdelay $0x2  }
0xba: {  	s31 =	sshll.u32 s1, $0xD;
	s1 =	sshrl.u32 s1, $0x2  }
0xbb: {  	s3 =	sand.u32 $0x4000, s31;
	s1 =	sadd.s32 s1, s30  }
0xbc: {  	s0 =	sor.u32 s3, s0;
	s1 =	sshll.u32 s1, $0x11  }
0xbd: {  	s0 =	sor.u32 s1, s0  }
0xbe: {  	s0 =	sadd.s32 $0x8F2B, s0  }
0xbf: {  	[sflag:s0] =	ssyncadd.remote.s32 $0x1  }
0xc0: {  	_ =	sfence.sel $0xFFFF  }
0xc1: {  	[dreg:$0x0] =	wrdreg $0xFFFFFFFF;
	(pc) =	sbr.abs _section_cstart, $3  }
0xc2: {  	[dreg:$0x1] =	wrdreg $0xFFFFFFFF  }
0xc3: {  	_ =	task.clear_ibuf [dreg:s7], $0x2FFFF;
	_ =	strace $0x9FFFFFFF  }
0xc4: {  	(tm) =	ssettm $0x7FFFFFFF  }
0xc5: {  	_ =	shalt  }
tec
execute0_lowered:
.L_overlay_start_1:
0x0: {  	(tag) =	ssettag $0x1  }
0x1: {  	s1 =	rddreg [dreg:$0x0]  }
0x2: {  	s0 =	rddreg [dreg:$0x1]  }
0x3: {  	s2 =	rddreg [dreg:$0x2]  }
0x4: {  	s4 =	rddreg [dreg:$0x3]  }
0x5: {  	s5 =	simm.s32 $0x0;
	s20 =	stileid.u32;
	s8 =	srdreg.scid  }
0x6: {  	s28 =	simm.s32 $0x51E0;
	s29 =	simm.s32 $0x79E0;
	s30 =	simm.s32 $0xA1E0  }
0x7: {  	s31 =	simm.s32 $0x0;
	[smem:$0x7FF] =	sst s5;
	s3 =	smul.u32 $0xA000, s20  }
0x8: {  	s6 =	sadd.s32 $0x2400, s0;
	s11 =	smul.u32 $0x2800, s20;
	s7 =	sadd.s32 $0x29600, s0  }
0x9: {  	s14 =	sand.u32 $0x1, s8;
	s12 =	smul.u32 $0x280, s20;
	s8 =	sadd.s32 $0x50800, s0  }
0xa: {  	v0 =	vimm.s32 $0xFEDCBA98;
	v1 =	vimm.s32 $0x76543210;
	s9 =	sadd.s32 $0x5A600, s0;
	s10 =	sadd.s32 $0x6E000, s0;
	s23 =	sshll.u32 s20, $0x6  }
0xb: {  	v2 =	vimm.s32 $0xBA98FEDC;
	_ =	strace $0x80000047;
	s13 =	smul.u32 $0x2800, s14;
	s17 =	ssub.s32 $0x2, s14  }
0xc: {  	v3 =	vimm.s32 $0x32107654;
	v4 =	vimm.s32 $0xDCFE98BA;
	v5 =	vimm.s32 $0x54761032;
	s15 =	sshrl.u32 s3, $0x3;
	s16 =	sshrl.u32 s11, $0x3;
	s22 =	sshrl.u32 s17, $0x1  }
0xd: {  	v6 =	vimm.s32 $0xEFCDAB89;
	v7 =	vimm.s32 $0x67452301;
	vm0 =	vmmov $0x1;
	s3 =	sadd.s32 s3, s2;
	s11 =	sadd.s32 s11, s4;
	s15 =	sadd.s32 s15, s0  }
0xe: {  	v0 =	vunpack.c.l.s4.s8 v0;
	v1 =	vunpack.c.l.s4.s8 v1;
	v2 =	vunpack.c.l.s4.s8 v2;
	s16 =	sadd.s32 s16, s0;
	s12 =	sadd.s32 s12, s13;
	s19 =	ssub.s32 s17, s22  }
0xf: {  	v3 =	vunpack.c.l.s4.s8 v3;
	v4 =	vunpack.c.l.s4.s8 v4;
	v5 =	vunpack.c.l.s4.s8 v5;
	s21 =	sshrl.u32 s11, $0x3;
	s22 =	simm.s32 $0xA0;
	s13 =	sshll.u32 s12, $0x3  }
0x10: {  	v6 =	vunpack.c.l.s4.s8 v6;
	v7 =	vunpack.c.l.s4.s8 v7;
	v0 =	vunpack.c.0.s8.s32 v0;
	s12 =	sshll.u32 s12, $0x1;
	s24 =	sadd.s32 $0x81A00, s15;
	s25 =	sadd.s32 $0x95A00, s16  }
0x11: {  	v2 =	vunpack.c.0.s8.s32 v2;
	v3 =	vunpack.c.0.s8.s32 v3;
	v4 =	vunpack.c.0.s8.s32 v4;
	s15 =	smul.u32 $0x4E200, s14;
	s18 =	sadd.s32 s13, s0;
	s0 =	sadd.s32 s12, s0  }
0x12: {  	v5 =	vunpack.c.0.s8.s32 v5;
	v6 =	vunpack.c.0.s8.s32 v6;
	v7 =	vunpack.c.0.s8.s32 v7;
	[dreg:$0x5] =	wrdreg s24;
	s12 =	sor.u32 $0x1C02, s23;
	s13 =	smul.u32 $0x4E20, s20  }
0x13: {  	vm1 =	vcmask $0x310;
	v1 =	vunpack.c.0.s8.s32 v1;
	v2 =	vcombine.low v3, v2;
	[dreg:$0x6] =	wrdreg s25;
	s20 =	simm.s32 $0x2;
	s23 =	simm.s32 $0x140  }
0x14: {  	v3 =	vcombine.low v5, v4;
	v4 =	vcombine.low v7, v6;
	v0 =	vand.u32 $0xF, v0;
	s24 =	simm.s32 $0x1E0;
	s25 =	simm.s32 $0x1;
	s26 =	sadd.s32 $0x9AA00, s18  }
0x15: {  	vm2 =	vcmask $0x710;
	vm3 =	vcmask $0xB10;
	v0 =	vcombine.low v0, v1;
	s0 =	sadd.s32 $0xC2A00, s0;
	s18 =	smax.u32 s19, $0x1;
	[dreg:$0x7] =	wrdreg s26  }
0x16: {  	s19 =	sshrl.u32 s3, $0x3;
	v1 =	vand.u32 $0xF, v2;
	v2 =	vand.u32 $0xF, v3;
	v3 =	vand.u32 $0xF, v4;
	[dreg:$0x8] =	wrdreg s0;
	s26 =	simm.s32 $0x29E0  }
.LBB2_1:
0x17: {  	s0 =	rddreg [dreg:$0x5]  }
0x18: {  	[spmem:s19], [sflag:s12] =	dma.local [hbm:s0], $0x1400  }
0x19: {  	_ =	swait.ge [sflag:s20], $0x1400  }
0x1a: {  	[sflag:s20] =	ssyncset.done $0x0  }
0x1b: {  	s17 =	rddreg [dreg:$0x6];
	[sflag:s20] =	ssyncadd.s32 $0xFFFFEC00  }
0x1c: {  	[spmem:s21], [sflag:s12] =	dma.local [hbm:s17], $0x500  }
0x1d: {  	_ =	swait.ge [sflag:s20], $0x500  }
0x1e: {  	[sflag:s20] =	ssyncset.done $0x0  }
0x1f: {  	[sflag:s20] =	ssyncadd.s32 $0xFFFFFB00  }
0x20: {  	s0 =	simm.s32 $0x0;
	[bflag:$0x0] =	sbarrier.arrive $0xFFFF  }
.LBB2_2:
0x21: {  	s3 =	smul.u32 $0xA0, s0;
	_ =	sdelay $0x1  }
0x22: {  	s3 =	sadd.s32 s13, s3  }
0x23: {  	s11 =	sshrl.u32 s3, $0x3  }
0x24: {  	s14 =	simm.s32 $0x0;
	s11 =	sadd.s32 s8, s11  }
0x25: {  	[tilespmem:s14], [sflag:$0x2] =	stream.linear.gather [hbm4b:s11+s14], $0xA0, $0x38;
	[tilespmem:$0x173E0] =	vst v63  }
0x26: {  	s3 =	sadd.s32 s15, s3;
	_ =	swait.ge [sflag:s20], $0xA0  }
0x27: {  	s3 =	sshrl.u32 s3, $0x3;
	[sflag:s20] =	ssyncset.done $0x0  }
0x28: {  	s17 =	sadd.s32 s9, s3;
	[sflag:s20] =	ssyncadd.s32 $0xFFFFFF60  }
0x29: {  	[tilespmem:s22], [sflag:$0x2] =	stream.linear.gather [hbm4b:s17+s14], $0xA0, $0x38;
	[tilespmem:$0x173E0] =	vst v63  }
0x2a: {  	_ =	swait.ge [sflag:s20], $0xA0  }
0x2b: {  	[sflag:s20] =	ssyncset.done $0x0  }
0x2c: {  	s3 =	sadd.s32 s10, s3;
	[sflag:s20] =	ssyncadd.s32 $0xFFFFFF60  }
0x2d: {  	[tilespmem:s23], [sflag:$0x2] =	stream.linear.gather [hbm4b:s3+s14], $0xA0, $0x38;
	[tilespmem:$0x173E0] =	vst v63  }
0x2e: {  	_ =	swait.ge [sflag:s20], $0xA0  }
0x2f: {  	[sflag:s20] =	ssyncset.done $0x0  }
0x30: {  	[sflag:s20] =	ssyncadd.s32 $0xFFFFFF60  }
0x31: {  	[tilespmem:s24], [sflag:$0x1] =	stream.indirect.gather [hbm4b:s1+s22], $0x40, s22, s22, $0xb8;
	[tilespmem:$0x173E0] =	vst v63  }
0x32: {  	_ =	swait.ge [sflag:s25], $0x2800  }
0x33: {  	[sflag:s25] =	ssyncset.done $0x0  }
0x34: {  	[sflag:s25] =	ssyncadd.s32 $0xFFFFD800  }
0x35: {  	[tilespmem:s26], [sflag:$0x1] =	stream.indirect.gather [hbm4b:s6+s22], $0x40, s23, s22, $0xb8;
	[tilespmem:$0x173E0] =	vst v63  }
0x36: {  	_ =	swait.ge [sflag:s25], $0x2800  }
0x37: {  	[sflag:s25] =	ssyncset.done $0x0  }
0x38: {  	[sflag:s25] =	ssyncadd.s32 $0xFFFFD800  }
0x39: {  	[tilespmem:s28], [sflag:$0x1] =	stream.indirect.gather [hbm4b:s7+s22], $0x40, s23, s22, $0xb8;
	[tilespmem:$0x173E0] =	vst v63  }
0x3a: {  	_ =	swait.ge [sflag:s25], $0x2800  }
0x3b: {  	[sflag:s25] =	ssyncset.done $0x0  }
0x3c: {  	s3 =	simm.s32 $0x0;
	[sflag:s25] =	ssyncadd.s32 $0xFFFFD800  }
0x3d: {  	v4 =	vld [tilespmem:s3+$0x1F0]  }
0x3e: {  	v5 =	vld [tilespmem:s3+$0x2A00]  }
0x3f: {  	v6 =	vld [tilespmem:s3+$0x200]  }
0x40: {  	v7 =	vld [tilespmem:s3+$0x29F0]  }
0x41: {  	v8 =	vld [tilespmem:s3+$0x1E0]  }
0x42: {  	v9 =	vld [tilespmem:s3+$0x29E0]  }
0x43: {  	v10 =	vld [tilespmem:s3+$0x210]  }
0x44: {  	v11 =	vld [tilespmem:s3+$0x2A10];
	_ =	sdelay $0x1  }
0x45: {  	v4 =	vmul.f32 v7, v4  }
0x46: {  	v7 =	vmul.f32 v9, v8  }
0x47: {  	v5 =	vmul.f32 v5, v6;
	v6 =	vperm.xlane v4, v0  }
0x48: {  	v57 =	vmul.f32 v11, v10;
	v8 =	vperm.xlane v7, v0  }
0x49: {  	v58 =	vperm.xlane v5, v0;
	v4 =	vadd.f32 v6, v4  }
0x4a: {  	v6 =	vadd.f32 v8, v7;
	v7 =	vperm.xlane v57, v0  }
0x4b: {  	v5 =	vadd.f32 v58, v5;
	v8 =	vperm.xlane v4, v1  }
0x4c: {  	v59 =	vperm.xlane v6, v1;
	v7 =	vadd.f32 v7, v57  }
0x4d: {  	v60 =	vperm.xlane v5, v1;
	v4 =	vadd.f32 v8, v4  }
0x4e: {  	v6 =	vadd.f32 v59, v6;
	v8 =	vperm.xlane v7, v1  }
0x4f: {  	v5 =	vadd.f32 v60, v5;
	v61 =	vperm.xlane v4, v2  }
0x50: {  	v10 =	vperm.xlane v6, v2;
	v7 =	vadd.f32 v8, v7  }
0x51: {  	v8 =	vperm.xlane v5, v2;
	v4 =	vadd.f32 v61, v4  }
0x52: {  	v6 =	vadd.f32 v10, v6;
	v62 =	vperm.xlane v7, v2  }
0x53: {  	v5 =	vadd.f32 v8, v5;
	v8 =	vperm.xlane v4, v3  }
0x54: {  	v10 =	vperm.xlane v6, v3;
	v7 =	vadd.f32 v62, v7  }
0x55: {  	v63 =	vperm.xlane v5, v3;
	v4 =	vadd.f32 v8, v4  }
0x56: {  	v6 =	vadd.f32 v10, v6;
	v8 =	vperm.xlane v7, v3  }
0x57: {  	v5 =	vadd.f32 v63, v5;
	v4 =	vmax.f32 v4, $-1.000000000e+01  }
0x58: {  	v6 =	vmax.f32 v6, $-1.000000000e+01;
	v7 =	vadd.f32 v8, v7;
	v4 =	vmin.f32 v4, $1.000000000e+01  }
0x59: {  	v5 =	vmax.f32 v5, $-1.000000000e+01;
	v8 =	vmul.f32 $1.442695020e+00, v4;
	v4 =	vmin.f32 v6, $1.000000000e+01  }
0x5a: {  	v5 =	vmin.f32 v5, $1.000000000e+01;
	v7 =	vmax.f32 v7, $-1.000000000e+01;
	v6 =	vmul.f32 $1.442695020e+00, v4  }
0x5b: {  	v5 =	vmul.f32 $1.442695020e+00, v5;
	v7 =	vmin.f32 v7, $1.000000000e+01;
	(erf) = vpow2.f32 v8  }
0x5c: {  	v8 =	vmul.f32 $1.442695020e+00, v7;
	(erf) = vpow2.f32 v6  }
0x5d: {  	(erf) = vpow2.f32 v5  }
0x5e: {  	v4 =	vld [tilespmem:s3+$0x5210];
	(erf) = vpow2.f32 v8  }
0x5f: {  	v7 =	vld [tilespmem:s3+$0x51F0]  }
0x60: {  	v6 =	vld [tilespmem:s3+$0x51E0]  }
0x61: {  	s16 =	simm.s32 $0x100;
	s11 =	simm.s32 $0xA1E0;
	s14 =	simm.s32 $0xA1E0;
	v5 =	vld [tilespmem:s3+$0x5200]  }
.LBB2_3:
0x62: {  	p0 =	sne.s32 s16, $0x9F00  }
0x63: {  	s14 =	sadd.s32 $0x10, s14;
	s17 =	smov.u32 s16;
	s16 =	sadd.s32 $0x100, s16  }
0x64: {  	v8 =	vpop (erf)  }
0x65: {  	v7 =	vmul.f32 v8, v7;
	v9 =	vpop (erf)  }
0x66: {  	v6 =	vmul.f32 v9, v6;
	v9 =	vnsel vm0, $0x0, v9;
	v10 =	vpop (erf)  }
0x67: {  	[tilespmem:s3+$0x79F0] =	vst v7;
	v7 =	vsel vm1, v9, v8;
	v5 =	vmul.f32 v10, v5;
	v8 =	vpop (erf)  }
0x68: {  	[tilespmem:s3+$0x79E0] =	vst v6;
	v6 =	vsel vm2, v7, v10;
	v4 =	vmul.f32 v8, v4  }
0x69: {  	s17 =	sshra.s32 s17, $0x2;
	[tilespmem:s3+$0x7A00] =	vst v5;
	v5 =	vsel vm3, v6, v8  }
0x6a: {  	[tilespmem:s3+$0x7A10] =	vst v4;
	s3 =	smov.u32 s17  }
0x6b: {  	[tilespmem:s11+$0x0] =	vst v5;
	s11 =	smov.u32 s14  }
0x6c: {  	v4 =	vld [tilespmem:s3+$0x1F0]  }
0x6d: {  	v5 =	vld [tilespmem:s3+$0x2A00]  }
0x6e: {  	v6 =	vld [tilespmem:s3+$0x200]  }
0x6f: {  	v7 =	vld [tilespmem:s3+$0x29F0]  }
0x70: {  	v8 =	vld [tilespmem:s3+$0x1E0]  }
0x71: {  	v9 =	vld [tilespmem:s3+$0x29E0]  }
0x72: {  	v10 =	vld [tilespmem:s3+$0x210]  }
0x73: {  	v11 =	vld [tilespmem:s3+$0x2A10]  }
0x74: {  	v7 =	vmul.f32 v7, v4;
	v4 =	vld [tilespmem:s3+$0x5210]  }
0x75: {  	v5 =	vmul.f32 v5, v6  }
0x76: {  	v6 =	vmul.f32 v9, v8;
	v8 =	vperm.xlane v7, v0  }
0x77: {  	v9 =	vperm.xlane v5, v0  }
0x78: {  	v12 =	vperm.xlane v6, v0;
	v7 =	vadd.f32 v8, v7;
	v8 =	vmul.f32 v11, v10  }
0x79: {  	v5 =	vadd.f32 v9, v5  }
0x7a: {  	v6 =	vadd.f32 v12, v6;
	v9 =	vperm.xlane v7, v1;
	v10 =	vperm.xlane v8, v0  }
0x7b: {  	v11 =	vperm.xlane v5, v1  }
0x7c: {  	v12 =	vperm.xlane v6, v1;
	v7 =	vadd.f32 v9, v7;
	v8 =	vadd.f32 v10, v8  }
0x7d: {  	v5 =	vadd.f32 v11, v5  }
0x7e: {  	v6 =	vadd.f32 v12, v6;
	v9 =	vperm.xlane v7, v2;
	v10 =	vperm.xlane v8, v1  }
0x7f: {  	v11 =	vperm.xlane v5, v2  }
0x80: {  	v12 =	vperm.xlane v6, v2;
	v7 =	vadd.f32 v9, v7;
	v8 =	vadd.f32 v10, v8  }
0x81: {  	v5 =	vadd.f32 v11, v5  }
0x82: {  	v6 =	vadd.f32 v12, v6;
	v9 =	vperm.xlane v7, v3;
	v10 =	vperm.xlane v8, v2  }
0x83: {  	v11 =	vperm.xlane v5, v3  }
0x84: {  	v12 =	vperm.xlane v6, v3;
	v7 =	vadd.f32 v9, v7;
	v8 =	vadd.f32 v10, v8  }
0x85: {  	v5 =	vadd.f32 v11, v5  }
0x86: {  	v6 =	vadd.f32 v12, v6;
	v7 =	vmax.f32 v7, $-1.000000000e+01;
	v9 =	vperm.xlane v8, v3  }
0x87: {  	v5 =	vmax.f32 v5, $-1.000000000e+01;
	v7 =	vmin.f32 v7, $1.000000000e+01  }
0x88: {  	v6 =	vmax.f32 v6, $-1.000000000e+01;
	v7 =	vmul.f32 $1.442695020e+00, v7;
	v8 =	vadd.f32 v9, v8  }
0x89: {  	v5 =	vmin.f32 v5, $1.000000000e+01;
	v6 =	vmin.f32 v6, $1.000000000e+01  }
0x8a: {  	v5 =	vmul.f32 $1.442695020e+00, v5;
	v6 =	vmul.f32 $1.442695020e+00, v6;
	v8 =	vmax.f32 v8, $-1.000000000e+01  }
0x8b: {  	v8 =	vmin.f32 v8, $1.000000000e+01;
	(erf) = vpow2.f32 v7  }
0x8c: {  	v7 =	vmul.f32 $1.442695020e+00, v8;
	(erf) = vpow2.f32 v6  }
0x8d: {  	(erf) = vpow2.f32 v5  }
.Ltmp0:
0x8e: {  	(erf) = vpow2.f32 v7;
	(pc) =	sbr.rel @p0 .LBB2_3-.Ltmp0, $4  }
0x8f: {  	_ = 	snop  }
0x90: {  	v7 =	vld [tilespmem:s3+$0x51F0]  }
0x91: {  	v6 =	vld [tilespmem:s3+$0x51E0]  }
0x92: {  	v5 =	vld [tilespmem:s3+$0x5200]  }
0x93: {  	_ = 	snop  }
0x94: {  	v8 =	vpop (erf)  }
0x95: {  	v7 =	vmul.f32 v8, v7;
	v9 =	vpop (erf)  }
0x96: {  	v6 =	vmul.f32 v9, v6;
	v10 =	vpop (erf)  }
0x97: {  	v9 =	vnsel vm0, $0x0, v9;
	[tilespmem:s3+$0x79F0] =	vst v7;
	v5 =	vmul.f32 v10, v5;
	v62 =	vpop (erf)  }
0x98: {  	v8 =	vsel vm1, v9, v8;
	[tilespmem:s3+$0x79E0] =	vst v6;
	v4 =	vmul.f32 v62, v4  }
0x99: {  	v63 =	vsel vm2, v8, v10;
	[tilespmem:s3+$0x7A00] =	vst v5  }
0x9a: {  	v5 =	vsel vm3, v63, v62;
	[tilespmem:s3+$0x7A10] =	vst v4  }
0x9b: {  	[tilespmem:s11+$0x0] =	vst v5  }
0x9c: {  	[spmem:s2] =	stream.indirect.scatter.add.f32 [tilespmem:s29], [sflag:$0x2], $0x40, s5, s22, $0xb8;
	[tilespmem:$0x173E0] =	vst v63  }
0x9d: {  	s0 =	sadd.s32 $0x1, s0;
	_ =	swait.ge [sflag:s20], $0x2800  }
0x9e: {  	p0 =	sne.s32 s0, $0x7D;
	[sflag:s20] =	ssyncset.done $0x0  }
.Ltmp1:
0x9f: {  	[sflag:s20] =	ssyncadd.s32 $0xFFFFD800;
	(pc) =	sbr.rel @p0 .LBB2_2-.Ltmp1, $4  }
0xa0: {  	[spmem:s4] =	stream.indirect.scatter.add.f32 [tilespmem:s30], [sflag:$0x2], $0x10, s5, s22, $0xb8;
	[tilespmem:$0x173E0] =	vst v63  }
0xa1: {  	_ =	swait.ge [sflag:s20], $0xA00  }
0xa2: {  	[sflag:s20] =	ssyncset.done $0x0  }
0xa3: {  	[sflag:s20] =	ssyncadd.s32 $0xFFFFF600  }
0xa4: {  	[bflag:$0x0] =	sbarrier.arrive $0xFFFF  }
0xa5: {  	s0 =	rddreg [dreg:$0x7]  }
0xa6: {  	[hbm:s0], [sflag:s12] =	dma.local [spmem:s19], $0x1400  }
0xa7: {  	s31 =	sadd.s32 $0x1, s31;
	_ =	swait.ge [sflag:s20], $0x1400  }
0xa8: {  	p0 =	sne.s32 s31, s18;
	[sflag:s20] =	ssyncset.done $0x0  }
.Ltmp2:
0xa9: {  	s17 =	rddreg [dreg:$0x8];
	[sflag:s20] =	ssyncadd.s32 $0xFFFFEC00;
	(pc) =	sbr.rel @p0 .LBB2_1-.Ltmp2, $4  }
0xaa: {  	[hbm:s17], [sflag:s12] =	dma.local [spmem:s21], $0x500  }
0xab: {  	_ =	swait.ge [sflag:s20], $0x500  }
0xac: {  	[sflag:s20] =	ssyncset.done $0x0  }
0xad: {  	[sflag:s20] =	ssyncadd.s32 $0xFFFFFB00  }
0xae: {  	_ =	sfence.sel $0x180000  }
0xaf: {  	[bflag:$0x0] =	sbarrier.arrive $0xFFFF  }
0xb0: {  	_ =	strace $0x90000047  }
0xb1: {  	s0 =	stileid.u32;
	[bflag:$0x2] =	sbarrier.arrive $0xFFFF  }
0xb2: {  	p0 =	sne.s32 s0, $0x0;
	s0 =	rddreg [dreg:$0x4]  }
0xb3: {  	s0 =	sadd.s32 @!p0 $0x100000, s0  }
0xb4: {  	[sflag:s0] =	ssyncadd.tile.s32 @!p0 $0x1;
	_ =	shalt  }
.Lfunc_end2:
_tile_overlayer_lowered:
.L_overlay_start_2:
0xb5: {  	(tag) =	ssettag $0x2  }
0xb6: {  	s0 =	rddreg [dreg:$0x0];
	s2 =	stileid.u32  }
0xb7: {  	s1 =	rddreg [dreg:$0x1];
	p0 =	sne.s32 s2, $0x0  }
0xb8: {  	s3 =	rddreg [dreg:$0x2];
	[bflag:$0x3] =	sbarrier.arrive $0xFFFF;
	s2 =	simm.s32 @!p0 $0x1C02  }
0xb9: {  	[timem:s3], [sflag:s2] =	dma.local @!p0 [hbm:s0], s1  }
0xba: {  	s0 =	simm.s32 @!p0 $0x2  }
0xbb: {  	_ =	swait.ge @!p0 [sflag:s0], s1  }
0xbc: {  	s1 =	ssub.s32 @!p0 $0x0, s1;
	[sflag:s0] =	ssyncset.done @!p0 $0x0  }
0xbd: {  	[sflag:s0] =	ssyncadd.s32 @!p0 s1  }
0xbe: {  	[bflag:$0x3] =	sbarrier.arrive $0xFFFF  }
0xbf: {  	_ =	shalt  }

</sc_bundles>
